<compile_context>
chip_gen: v7x
topology: tpu7x:2x2x1
jax: 0.10.2.dev20260603
libtpu: 0.0.44.dev20260713+nightly
codegen_flags: <defaults>
</compile_context>

<pallas_src>
import jax
import jax.numpy as jnp
from jax import lax
from jax.experimental import pallas as pl
from jax.experimental.pallas import tpu as pltpu
from jax.experimental.pallas import tpu_sc as plsc

N_KEYS = 1_000_000
D = 64
NQ = 64
K = 32

CHUNK = 8192
GSIZE = 256
GPC = CHUNK // GSIZE
NCHUNKS = 128
NCHUNKS_REAL = (N_KEYS + CHUNK - 1) // CHUNK
NG = NCHUNKS * GPC

NEG_INF = float("-inf")
BIG_I32 = 2 ** 30



def _score_kernel(q_ref, k_ref, s_ref, gmax_ref):
    c = pl.program_id(0)
    q = q_ref[...]
    qn = q / (jnp.sqrt(jnp.sum(q * q, axis=1, keepdims=True)) + 1e-10)
    kc = k_ref[...]
    sk = jnp.sum(kc * kc, axis=1)
    inv = 1.0 / (jnp.sqrt(sk) + 1e-10)
    s = lax.dot_general(qn, kc, (((1,), (1,)), ((), ())),
                        preferred_element_type=jnp.float32)
    s = s * inv[None, :]
    col = c * CHUNK + lax.broadcasted_iota(jnp.int32, (1, CHUNK), 1)
    s = jnp.where(col < N_KEYS, s, NEG_INF)
    s3 = s.reshape(NQ, GPC, GSIZE)
    s_ref[...] = s3
    gmax_ref[...] = jnp.max(s3, axis=-1).reshape(NQ, 1, 1, GPC)


def _phase_a(queries, keys):
    return pl.pallas_call(
        _score_kernel,
        grid=(NCHUNKS,),
        in_specs=[
            pl.BlockSpec((NQ, D), lambda c: (0, 0)),
            pl.BlockSpec((CHUNK, D),
                         lambda c: (jnp.minimum(c, NCHUNKS_REAL - 1), 0)),
        ],
        out_specs=[
            pl.BlockSpec((NQ, GPC, GSIZE), lambda c: (0, c, 0)),
            pl.BlockSpec((NQ, 1, 1, GPC), lambda c: (0, c, 0, 0)),
        ],
        out_shape=[
            jax.ShapeDtypeStruct((NQ, NG, GSIZE), jnp.float32),
            jax.ShapeDtypeStruct((NQ, NCHUNKS, 1, GPC), jnp.float32),
        ],
        compiler_params=pltpu.CompilerParams(
            dimension_semantics=("arbitrary",),
        ),
    )(queries, keys)



def _iota16():
    return lax.iota(jnp.int32, 16)


def _fsplat(x):
    return jnp.full((16,), x, dtype=jnp.float32)


def _isplat(x):
    return jnp.full((16,), x, dtype=jnp.int32)


def _lane0():
    return _iota16() == 0


def _extract_topk(ref2d, m1_ref, nblk, row_of):
    iota = _iota16()

    def one_iter(it, carry):
        v0, v1, g0, g1 = carry

        def mx(b, acc):
            return jnp.maximum(acc, m1_ref[pl.ds(b * 16, 16)])
        m = jnp.max(lax.fori_loop(0, nblk, mx, _fsplat(NEG_INF)))

        def fnd(b, best):
            v = m1_ref[pl.ds(b * 16, 16)]
            ids = iota + b * 16
            return jnp.minimum(best, jnp.where(v == m, ids, BIG_I32))
        i1 = jnp.min(lax.fori_loop(0, nblk, fnd, _isplat(BIG_I32)))
        bb = i1 // 16
        l = i1 % 16

        rows = row_of(bb, iota // 8)
        cols = (iota % 8) * 16 + l
        col = plsc.load_gather(ref2d, [rows, cols])
        jsel = jnp.min(jnp.where(col == m, iota, _isplat(BIG_I32)))
        g = bb * 256 + jsel * 16 + l

        v0 = jnp.where(iota == it, m, v0)
        v1 = jnp.where(iota == (it - 16), m, v1)
        g0 = jnp.where(iota == it, g, g0)
        g1 = jnp.where(iota == (it - 16), g, g1)

        e = g % 256
        plsc.store_scatter(ref2d, [_isplat(row_of(bb, e // 128)),
                                   _isplat(e % 128)],
                           _fsplat(NEG_INF), mask=_lane0())
        col2 = plsc.load_gather(ref2d, [rows, cols])
        plsc.store_scatter(m1_ref, [_isplat(i1)], _fsplat(jnp.max(col2)),
                           mask=_lane0())
        return v0, v1, g0, g1

    init = (_fsplat(NEG_INF), _fsplat(NEG_INF), _isplat(0), _isplat(0))
    return lax.fori_loop(0, K, one_iter, init)


def _build_m1(ref2d, m1_ref, nblk, row_of):
    def per_block(b, _):
        def mx(j, acc):
            v = ref2d[row_of(b, j // 8), pl.ds((j % 8) * 16, 16)]
            return jnp.maximum(acc, v)
        m1_ref[pl.ds(b * 16, 16)] = lax.fori_loop(0, 16, mx, _fsplat(NEG_INF))
        return 0
    lax.fori_loop(0, nblk, per_block, 0)


def _select_body(scores_hbm, gmax_hbm, out_hbm,
                 gm_ref, m1_ref, cand_ref, m1b_ref, gidx_ref, outv_ref, sem):
    wid = lax.axis_index("s") * 2 + lax.axis_index("c")

    def gm_row(bb, h):
        return 2 * bb + h

    def cand_row(bb, h):
        return bb + 32 * h

    def per_query(t, _):
        q = 2 * wid + t

        pltpu.sync_copy(gmax_hbm.at[pl.ds(q * (NG // 128), NG // 128)], gm_ref)
        _build_m1(gm_ref, m1_ref, NG // 256, gm_row)
        _, _, grp0, grp1 = _extract_topk(gm_ref, m1_ref, NG // 256, gm_row)

        base = 2 * (q * NG)
        gidx_ref[pl.ds(0, 16)] = 2 * grp0 + base
        gidx_ref[pl.ds(16, 16)] = 2 * grp1 + base
        gidx_ref[pl.ds(32, 16)] = 2 * grp0 + (base + 1)
        gidx_ref[pl.ds(48, 16)] = 2 * grp1 + (base + 1)
        pltpu.async_copy(scores_hbm.at[gidx_ref], cand_ref, sem).wait()

        _build_m1(cand_ref, m1b_ref, K, cand_row)
        val0, val1, _, _ = _extract_topk(cand_ref, m1b_ref, K, cand_row)

        outv_ref[pl.ds(t * 32, 16)] = val0
        outv_ref[pl.ds(t * 32 + 16, 16)] = val1
        return 0

    lax.fori_loop(0, 2, per_query, 0)
    pltpu.sync_copy(outv_ref,
                    out_hbm.at[wid // 2, pl.ds((wid % 2) * 64, 64)])


def _phase_b(scores2d, gmax2d):
    mesh = plsc.VectorSubcoreMesh(core_axis_name="c", subcore_axis_name="s",
                                  num_cores=2, num_subcores=16)
    fn = pl.kernel(
        _select_body,
        out_type=jax.ShapeDtypeStruct((NQ * K // 128, 128), jnp.float32),
        mesh=mesh,
        scratch_types=[
            pltpu.VMEM((NG // 128, 128), jnp.float32),
            pltpu.VMEM((NG // 256 * 16,), jnp.float32),
            pltpu.VMEM((2 * K, 128), jnp.float32),
            pltpu.VMEM((K * 16,), jnp.float32),
            pltpu.VMEM((2 * K,), jnp.int32),
            pltpu.VMEM((2 * K,), jnp.float32),
            pltpu.SemaphoreType.DMA,
        ],
        compiler_params=pltpu.CompilerParams(needs_layout_passes=False),
    )
    return fn(scores2d, gmax2d)


def kernel(queries, keys, k):
    scores3, gmax4 = _phase_a(queries, keys)
    scores2d = scores3.reshape(NQ * NG * 2, 128)
    gmax2d = gmax4.reshape(NQ * NG // 128, 128)
    out2d = _phase_b(scores2d, gmax2d)
    return out2d.reshape(NQ, K)

# --- scband reference (transcript-rebuilt; emitter-appended) ---
"""Pipeline reference for scband-contrastive-odc-v4-24885040513415 (READ-ONLY COPY).

The authoritative reference and input builder live on the scoring server;
editing this copy changes nothing except your own understanding.
"""

import jax, jax.numpy as jnp
import numpy as np


def setup_inputs(seed: int = 0) -> dict:
    key = jax.random.key(seed)
    k1, k2 = jax.random.split(key)
    queries = jax.random.normal(k1, (64, 64), dtype=jnp.float32)
    keys = jax.random.normal(k2, (1000000, 64), dtype=jnp.float32)
    return {"queries": queries, "keys": keys, "k": 32}


def reference(queries, keys, k):
    # L2-normalize features, mirroring z = z / (||z|| + 1e-10) in the module
    q = queries / (jnp.linalg.norm(queries, axis=1, keepdims=True) + 1e-10)
    kb = keys / (jnp.linalg.norm(keys, axis=1, keepdims=True) + 1e-10)
    # pairwise squared L2 distances (cdist p=2 equivalent, squared is rank-preserving)
    sq = jnp.sum(q * q, axis=1, keepdims=True)            # [Q, 1]
    sk = jnp.sum(kb * kb, axis=1)                         # [K]
    dist2 = sq + sk[None, :] - 2.0 * (q @ kb.T)           # [Q, K]
    # k nearest neighbors (smallest distance -> top_k of negated distance)
    k_static = 32
    neg_vals, idx = jax.lax.top_k(-dist2, k_static)       # [Q, k]
    # gather negative/neighbor features from the bank, as in get_negative
    neigh = jnp.take(kb, idx, axis=0)                     # [Q, k, d]
    # similarity scores against retrieved negatives: z[i] @ negative_feature[i].T
    scores = jnp.einsum('qd,qkd->qk', q, neigh)           # [Q, k]
    scores = scores + 0.0 * jnp.asarray(k, dtype=scores.dtype)
    return scores

if __name__ == "__main__":
    import jax
    _d = setup_inputs()
    print(jax.jit(kernel)(*tuple(_d.values())))

</pallas_src>

<mosaic_0001>
#map = affine_map<(d0, d1) -> (0, 0)>
module attributes {stable_mosaic.version = 14 : i64} {
  func.func @_select_body(%arg0: i32, %arg1: i32, %arg2: memref<524288x128xf32, #tpu.memory_space<hbm>>, %arg3: memref<2048x128xf32, #tpu.memory_space<hbm>>, %arg4: memref<16x128xf32, #tpu.memory_space<hbm>>, %arg5: memref<32x128xf32, #tpu.memory_space<vmem>>, %arg6: memref<256xf32, #tpu.memory_space<vmem>>, %arg7: memref<64x128xf32, #tpu.memory_space<vmem>>, %arg8: memref<512xf32, #tpu.memory_space<vmem>>, %arg9: memref<64xi32, #tpu.memory_space<vmem>>, %arg10: memref<64xf32, #tpu.memory_space<vmem>>, %arg11: memref<!tpu.dma_semaphore, #tpu.memory_space<semaphore_mem>>) attributes {dimension_semantics = [#tpu.dimension_semantics<core_parallel>, #tpu.dimension_semantics<subcore_parallel>], iteration_bounds = array<i64: 2, 16>, scalar_prefetch = 0 : i64, scratch_operands = 7 : i64, tpu.core_type = #tpu.core_type<sc_vector_subcore>, window_params = [{transform_indices = #map}, {transform_indices = #map}, {transform_indices = #map}]} {
    %mul3A = arith.constant 2 : i32
    %mul3A_0 = arith.muli %arg1, %mul3A : i32
    %add3A = arith.addi %mul3A_0, %arg0 : i32
    %scan3A = arith.constant 0 : i32
    %scan3A_1 = arith.constant 0 : i32
    %scan3A_2 = arith.constant 2 : i32
    %scan3A_3 = arith.addi %scan3A_1, %scan3A_2 : i32
    %scan3A_4 = arith.constant 1 : i32
    %scan3A_5 = scf.for %scan3A_39 = %scan3A_1 to %scan3A_3 step %scan3A_4 iter_args(%scan3A_40 = %scan3A) -> (i32)  : i32 {
      %mul3A_41 = arith.constant 2 : i32
      %mul3A_42 = arith.muli %mul3A_41, %add3A : i32
      %add3A_43 = arith.addi %mul3A_42, %scan3A_39 : i32
      %mul3A_44 = arith.constant 32 : i32
      %mul3A_45 = arith.muli %add3A_43, %mul3A_44 : i32
      "tpu.region"() ({
        %run_scoped3A = tpu.sem_alloc : memref<!tpu.dma_semaphore, #tpu.memory_space<semaphore_mem>>
        %dma_start3A_138 = arith.constant 0 : i32
        %dma_start3A_139 = tpu.memref_slice %arg3[%mul3A_45, %dma_start3A_138] : memref<2048x128xf32, #tpu.memory_space<hbm>> -> memref<32x128xf32, #tpu.memory_space<hbm>>
        %dma_start3A_140 = arith.constant 0 : i32
        %dma_start3A_141 = tpu.memref_slice %arg3[%mul3A_45, %dma_start3A_140] : memref<2048x128xf32, #tpu.memory_space<hbm>> -> memref<32x128xf32, #tpu.memory_space<hbm>>
        tpu.enqueue_dma source(%dma_start3A_141 : memref<32x128xf32, #tpu.memory_space<hbm>>) target(%arg5 : memref<32x128xf32, #tpu.memory_space<vmem>>) target_semaphore(%run_scoped3A : memref<!tpu.dma_semaphore, #tpu.memory_space<semaphore_mem>>)
        %dma_wait3A_142 = arith.constant 0 : i32
        %dma_wait3A_143 = tpu.memref_slice %arg3[%mul3A_45, %dma_wait3A_142] : memref<2048x128xf32, #tpu.memory_space<hbm>> -> memref<32x128xf32, #tpu.memory_space<hbm>>
        %dma_wait3A_144 = arith.constant 0 : i32
        %dma_wait3A_145 = tpu.memref_slice %arg3[%mul3A_45, %dma_wait3A_144] : memref<2048x128xf32, #tpu.memory_space<hbm>> -> memref<32x128xf32, #tpu.memory_space<hbm>>
        tpu.wait_dma2 semaphore(%run_scoped3A : memref<!tpu.dma_semaphore, #tpu.memory_space<semaphore_mem>>) src(%dma_wait3A_145 : memref<32x128xf32, #tpu.memory_space<hbm>>) dst(%arg5 : memref<32x128xf32, #tpu.memory_space<vmem>>)
        tpu.yield
      }) : () -> ()
      %scan3A_46 = arith.constant 0 : i32
      %scan3A_47 = arith.constant 0 : i32
      %scan3A_48 = arith.constant 16 : i32
      %scan3A_49 = arith.addi %scan3A_47, %scan3A_48 : i32
      %scan3A_50 = arith.constant 1 : i32
      %scan3A_51 = scf.for %scan3A_138 = %scan3A_47 to %scan3A_49 step %scan3A_50 iter_args(%scan3A_139 = %scan3A_46) -> (i32)  : i32 {
        %broadcast_in_dim3A_140 = arith.constant 0xFF800000 : f32
        %broadcast_in_dim3A_141 = vector.broadcast %broadcast_in_dim3A_140 : f32 to vector<16xf32>
        %scan3A_142 = arith.constant 0 : i32
        %scan3A_143 = arith.constant 16 : i32
        %scan3A_144 = arith.addi %scan3A_142, %scan3A_143 : i32
        %scan3A_145 = arith.constant 1 : i32
        %scan3A_146 = scf.for %scan3A_153 = %scan3A_142 to %scan3A_144 step %scan3A_145 iter_args(%scan3A_154 = %broadcast_in_dim3A_141) -> (vector<16xf32>)  : i32 {
          %jit3A_155 = arith.constant 8 : i32
          %div3A_156 = arith.divsi %scan3A_153, %jit3A_155 : i32
          %sign3A_157 = arith.constant 0 : i32
          %sign3A_158 = arith.cmpi sgt, %scan3A_153, %sign3A_157 : i32
          %sign3A_159 = arith.extui %sign3A_158 : i1 to i32
          %sign3A_160 = arith.constant 0 : i32
          %sign3A_161 = arith.cmpi slt, %scan3A_153, %sign3A_160 : i32
          %sign3A_162 = arith.extui %sign3A_161 : i1 to i32
          %sign3A_163 = arith.subi %sign3A_159, %sign3A_162 : i32
          %sign3A_164 = arith.constant 0 : i32
          %sign3A_165 = arith.cmpi sgt, %jit3A_155, %sign3A_164 : i32
          %sign3A_166 = arith.extui %sign3A_165 : i1 to i32
          %sign3A_167 = arith.constant 0 : i32
          %sign3A_168 = arith.cmpi slt, %jit3A_155, %sign3A_167 : i32
          %sign3A_169 = arith.extui %sign3A_168 : i1 to i32
          %sign3A_170 = arith.subi %sign3A_166, %sign3A_169 : i32
          %ne3A_171 = arith.cmpi ne, %sign3A_163, %sign3A_170 : i32
          %rem3A_172 = arith.remsi %scan3A_153, %jit3A_155 : i32
          %ne3A_173 = arith.constant 0 : i32
          %ne3A_174 = arith.cmpi ne, %rem3A_172, %ne3A_173 : i32
          %and3A_175 = arith.andi %ne3A_171, %ne3A_174 : i1
          %sub3A_176 = arith.constant 1 : i32
          %sub3A_177 = arith.subi %div3A_156, %sub3A_176 : i32
          %select_n3A_178 = arith.select %and3A_175, %sub3A_177, %div3A_156 : i32
          %mul3A_179 = arith.constant 2 : i32
          %mul3A_180 = arith.muli %mul3A_179, %scan3A_138 : i32
          %add3A_181 = arith.addi %mul3A_180, %select_n3A_178 : i32
          %jit3A_182 = arith.constant 8 : i32
          %eq3A_183 = arith.constant 0 : i32
          %eq3A_184 = arith.cmpi eq, %jit3A_182, %eq3A_183 : i32
          %jit3A_185 = arith.constant 1 : i32
          %select_n3A_186 = arith.select %eq3A_184, %jit3A_185, %jit3A_182 : i32
          %rem3A_187 = arith.remsi %scan3A_153, %select_n3A_186 : i32
          %ne3A_188 = arith.constant 0 : i32
          %ne3A_189 = arith.cmpi ne, %rem3A_187, %ne3A_188 : i32
          %lt3A_190 = arith.constant 0 : i32
          %lt3A_191 = arith.cmpi slt, %rem3A_187, %lt3A_190 : i32
          %lt3A_192 = arith.constant 0 : i32
          %lt3A_193 = arith.cmpi slt, %select_n3A_186, %lt3A_192 : i32
          %ne3A_194 = arith.xori %lt3A_191, %lt3A_193 : i1
          %and3A_195 = arith.andi %ne3A_194, %ne3A_189 : i1
          %add3A_196 = arith.addi %rem3A_187, %select_n3A_186 : i32
          %select_n3A_197 = arith.select %and3A_195, %add3A_196, %rem3A_187 : i32
          %mul3A_198 = arith.constant 16 : i32
          %mul3A_199 = arith.muli %select_n3A_197, %mul3A_198 : i32
          %get3A = arith.index_cast %add3A_181 : i32 to index
          %get3A_200 = arith.index_cast %mul3A_199 : i32 to index
          %get3A_201 = tpu.vector_load %arg5[%get3A, %get3A_200] {strides = array<i32>} : memref<32x128xf32, #tpu.memory_space<vmem>>, vector<16xf32>,
          %max3A = arith.maximumf %scan3A_154, %get3A_201 : vector<16xf32>
          scf.yield %max3A : vector<16xf32>
        }
        %scan3A_147 = arith.constant 16 : i32
        %mul3A_148 = arith.constant 16 : i32
        %mul3A_149 = arith.muli %scan3A_138, %mul3A_148 : i32
        %swap3A_150 = arith.index_cast %mul3A_149 : i32 to index
        %swap3A_151 = tpu.vector_load %arg6[%swap3A_150] {strides = array<i32>} : memref<256xf32, #tpu.memory_space<vmem>>, vector<16xf32>,
        tpu.vector_store %arg6[%swap3A_150], %scan3A_146 {strides = array<i32>} : memref<256xf32, #tpu.memory_space<vmem>>, vector<16xf32>,
        %scan3A_152 = arith.constant 0 : i32
        scf.yield %scan3A_152 : i32
      }
      %scan3A_52 = arith.constant 16 : i32
      %iota3A = tpu.iota {dimensions = array<i32: 0>} : vector<16xi32>
      %broadcast_in_dim3A = arith.constant 0xFF800000 : f32
      %broadcast_in_dim3A_53 = vector.broadcast %broadcast_in_dim3A : f32 to vector<16xf32>
      %broadcast_in_dim3A_54 = arith.constant 0xFF800000 : f32
      %broadcast_in_dim3A_55 = vector.broadcast %broadcast_in_dim3A_54 : f32 to vector<16xf32>
      %broadcast_in_dim3A_56 = arith.constant 0 : i32
      %broadcast_in_dim3A_57 = vector.broadcast %broadcast_in_dim3A_56 : i32 to vector<16xi32>
      %broadcast_in_dim3A_58 = arith.constant 0 : i32
      %broadcast_in_dim3A_59 = vector.broadcast %broadcast_in_dim3A_58 : i32 to vector<16xi32>
      %scan3A_60 = arith.constant 0 : i32
      %scan3A_61 = arith.constant 32 : i32
      %scan3A_62 = arith.addi %scan3A_60, %scan3A_61 : i32
      %scan3A_63 = arith.constant 1 : i32
      %scan3A_64:4 = scf.for %scan3A_138 = %scan3A_60 to %scan3A_62 step %scan3A_63 iter_args(%scan3A_139 = %broadcast_in_dim3A_53, %scan3A_140 = %broadcast_in_dim3A_55, %scan3A_141 = %broadcast_in_dim3A_57, %scan3A_142 = %broadcast_in_dim3A_59) -> (vector<16xf32>, vector<16xf32>, vector<16xi32>, vector<16xi32>)  : i32 {
        %broadcast_in_dim3A_143 = arith.constant 0xFF800000 : f32
        %broadcast_in_dim3A_144 = vector.broadcast %broadcast_in_dim3A_143 : f32 to vector<16xf32>
        %scan3A_145 = arith.constant 0 : i32
        %scan3A_146 = arith.constant 16 : i32
        %scan3A_147 = arith.addi %scan3A_145, %scan3A_146 : i32
        %scan3A_148 = arith.constant 1 : i32
        %scan3A_149 = scf.for %scan3A_388 = %scan3A_145 to %scan3A_147 step %scan3A_148 iter_args(%scan3A_389 = %broadcast_in_dim3A_144) -> (vector<16xf32>)  : i32 {
          %mul3A_390 = arith.constant 16 : i32
          %mul3A_391 = arith.muli %scan3A_388, %mul3A_390 : i32
          %get3A = arith.index_cast %mul3A_391 : i32 to index
          %get3A_392 = tpu.vector_load %arg6[%get3A] {strides = array<i32>} : memref<256xf32, #tpu.memory_space<vmem>>, vector<16xf32>,
          %max3A = arith.maximumf %scan3A_389, %get3A_392 : vector<16xf32>
          scf.yield %max3A : vector<16xf32>
        }
        %scan3A_150 = arith.constant 16 : i32
        %reduce_max3A = arith.constant true
        %reduce_max3A_151 = vector.broadcast %reduce_max3A : i1 to vector<16xi1>
        %reduce_max3A_152 = tpu.scan <max>, %scan3A_149 masked %reduce_max3A_151 : vector<16xf32>, vector<16xi1> -> vector<16xf32>
        %reduce_max3A_153 = vector.extract %reduce_max3A_152[15] : f32 from vector<16xf32>
        %broadcast_in_dim3A_154 = arith.constant 1073741824 : i32
        %broadcast_in_dim3A_155 = vector.broadcast %broadcast_in_dim3A_154 : i32 to vector<16xi32>
        %scan3A_156 = arith.constant 0 : i32
        %scan3A_157 = arith.constant 16 : i32
        %scan3A_158 = arith.addi %scan3A_156, %scan3A_157 : i32
        %scan3A_159 = arith.constant 1 : i32
        %scan3A_160 = scf.for %scan3A_388 = %scan3A_156 to %scan3A_158 step %scan3A_159 iter_args(%scan3A_389 = %broadcast_in_dim3A_155) -> (vector<16xi32>)  : i32 {
          %mul3A_390 = arith.constant 16 : i32
          %mul3A_391 = arith.muli %scan3A_388, %mul3A_390 : i32
          %get3A = arith.index_cast %mul3A_391 : i32 to index
          %get3A_392 = tpu.vector_load %arg6[%get3A] {strides = array<i32>} : memref<256xf32, #tpu.memory_space<vmem>>, vector<16xf32>,
          %mul3A_393 = arith.constant 16 : i32
          %mul3A_394 = arith.muli %scan3A_388, %mul3A_393 : i32
          %add3A_395 = vector.broadcast %mul3A_394 : i32 to vector<16xi32>
          %add3A_396 = arith.addi %iota3A, %add3A_395 : vector<16xi32>
          %eq3A_397 = vector.broadcast %reduce_max3A_153 : f32 to vector<16xf32>
          %eq3A_398 = arith.cmpf oeq, %get3A_392, %eq3A_397 : vector<16xf32>
          %jit3A_399 = arith.constant 1073741824 : i32
          %broadcast_in_dim3A_400 = vector.broadcast %jit3A_399 : i32 to vector<16xi32>
          %select_n3A_401 = arith.select %eq3A_398, %add3A_396, %broadcast_in_dim3A_400 : vector<16xi1>, vector<16xi32>
          %min3A = arith.minsi %scan3A_389, %select_n3A_401 : vector<16xi32>
          scf.yield %min3A : vector<16xi32>
        }
        %scan3A_161 = arith.constant 16 : i32
        %reduce_min3A = arith.constant true
        %reduce_min3A_162 = vector.broadcast %reduce_min3A : i1 to vector<16xi1>
        %reduce_min3A_163 = arith.constant -2147483648 : i32
        %reduce_min3A_164 = vector.broadcast %reduce_min3A_163 : i32 to vector<16xi32>
        %reduce_min3A_165 = arith.xori %scan3A_160, %reduce_min3A_164 : vector<16xi32>
        %reduce_min3A_166 = tpu.scan <min>, %reduce_min3A_165 masked %reduce_min3A_162 : vector<16xi32>, vector<16xi1> -> vector<16xi32>
        %reduce_min3A_167 = arith.xori %reduce_min3A_166, %reduce_min3A_164 : vector<16xi32>
        %reduce_min3A_168 = vector.extract %reduce_min3A_167[15] : i32 from vector<16xi32>
        %jit3A_169 = arith.constant 16 : i32
        %div3A_170 = arith.divsi %reduce_min3A_168, %jit3A_169 : i32
        %sign3A_171 = arith.constant 0 : i32
        %sign3A_172 = arith.cmpi sgt, %reduce_min3A_168, %sign3A_171 : i32
        %sign3A_173 = arith.extui %sign3A_172 : i1 to i32
        %sign3A_174 = arith.constant 0 : i32
        %sign3A_175 = arith.cmpi slt, %reduce_min3A_168, %sign3A_174 : i32
        %sign3A_176 = arith.extui %sign3A_175 : i1 to i32
        %sign3A_177 = arith.subi %sign3A_173, %sign3A_176 : i32
        %sign3A_178 = arith.constant 0 : i32
        %sign3A_179 = arith.cmpi sgt, %jit3A_169, %sign3A_178 : i32
        %sign3A_180 = arith.extui %sign3A_179 : i1 to i32
        %sign3A_181 = arith.constant 0 : i32
        %sign3A_182 = arith.cmpi slt, %jit3A_169, %sign3A_181 : i32
        %sign3A_183 = arith.extui %sign3A_182 : i1 to i32
        %sign3A_184 = arith.subi %sign3A_180, %sign3A_183 : i32
        %ne3A_185 = arith.cmpi ne, %sign3A_177, %sign3A_184 : i32
        %rem3A_186 = arith.remsi %reduce_min3A_168, %jit3A_169 : i32
        %ne3A_187 = arith.constant 0 : i32
        %ne3A_188 = arith.cmpi ne, %rem3A_186, %ne3A_187 : i32
        %and3A_189 = arith.andi %ne3A_185, %ne3A_188 : i1
        %sub3A_190 = arith.constant 1 : i32
        %sub3A_191 = arith.subi %div3A_170, %sub3A_190 : i32
        %select_n3A_192 = arith.select %and3A_189, %sub3A_191, %div3A_170 : i32
        %jit3A_193 = arith.constant 16 : i32
        %eq3A_194 = arith.constant 0 : i32
        %eq3A_195 = arith.cmpi eq, %jit3A_193, %eq3A_194 : i32
        %jit3A_196 = arith.constant 1 : i32
        %select_n3A_197 = arith.select %eq3A_195, %jit3A_196, %jit3A_193 : i32
        %rem3A_198 = arith.remsi %reduce_min3A_168, %select_n3A_197 : i32
        %ne3A_199 = arith.constant 0 : i32
        %ne3A_200 = arith.cmpi ne, %rem3A_198, %ne3A_199 : i32
        %lt3A_201 = arith.constant 0 : i32
        %lt3A_202 = arith.cmpi slt, %rem3A_198, %lt3A_201 : i32
        %lt3A_203 = arith.constant 0 : i32
        %lt3A_204 = arith.cmpi slt, %select_n3A_197, %lt3A_203 : i32
        %ne3A_205 = arith.xori %lt3A_202, %lt3A_204 : i1
        %and3A_206 = arith.andi %ne3A_205, %ne3A_200 : i1
        %add3A_207 = arith.addi %rem3A_198, %select_n3A_197 : i32
        %select_n3A_208 = arith.select %and3A_206, %add3A_207, %rem3A_198 : i32
        %jit3A_209 = arith.constant 8 : i32
        %div3A_210 = vector.broadcast %jit3A_209 : i32 to vector<16xi32>
        %div3A_211 = arith.divsi %iota3A, %div3A_210 : vector<16xi32>
        %sign3A_212 = arith.constant 0 : i32
        %sign3A_213 = vector.broadcast %sign3A_212 : i32 to vector<16xi32>
        %sign3A_214 = arith.cmpi sgt, %iota3A, %sign3A_213 : vector<16xi32>
        %sign3A_215 = arith.extui %sign3A_214 : vector<16xi1> to vector<16xi32>
        %sign3A_216 = arith.constant 0 : i32
        %sign3A_217 = vector.broadcast %sign3A_216 : i32 to vector<16xi32>
        %sign3A_218 = arith.cmpi slt, %iota3A, %sign3A_217 : vector<16xi32>
        %sign3A_219 = arith.extui %sign3A_218 : vector<16xi1> to vector<16xi32>
        %sign3A_220 = arith.subi %sign3A_215, %sign3A_219 : vector<16xi32>
        %sign3A_221 = arith.constant 0 : i32
        %sign3A_222 = arith.cmpi sgt, %jit3A_209, %sign3A_221 : i32
        %sign3A_223 = arith.extui %sign3A_222 : i1 to i32
        %sign3A_224 = arith.constant 0 : i32
        %sign3A_225 = arith.cmpi slt, %jit3A_209, %sign3A_224 : i32
        %sign3A_226 = arith.extui %sign3A_225 : i1 to i32
        %sign3A_227 = arith.subi %sign3A_223, %sign3A_226 : i32
        %ne3A_228 = vector.broadcast %sign3A_227 : i32 to vector<16xi32>
        %ne3A_229 = arith.cmpi ne, %sign3A_220, %ne3A_228 : vector<16xi32>
        %rem3A_230 = vector.broadcast %jit3A_209 : i32 to vector<16xi32>
        %rem3A_231 = arith.remsi %iota3A, %rem3A_230 : vector<16xi32>
        %ne3A_232 = arith.constant 0 : i32
        %ne3A_233 = vector.broadcast %ne3A_232 : i32 to vector<16xi32>
        %ne3A_234 = arith.cmpi ne, %rem3A_231, %ne3A_233 : vector<16xi32>
        %and3A_235 = arith.andi %ne3A_229, %ne3A_234 : vector<16xi1>
        %sub3A_236 = arith.constant 1 : i32
        %sub3A_237 = vector.broadcast %sub3A_236 : i32 to vector<16xi32>
        %sub3A_238 = arith.subi %div3A_211, %sub3A_237 : vector<16xi32>
        %select_n3A_239 = arith.select %and3A_235, %sub3A_238, %div3A_211 : vector<16xi1>, vector<16xi32>
        %mul3A_240 = arith.constant 2 : i32
        %mul3A_241 = arith.muli %mul3A_240, %select_n3A_192 : i32
        %add3A_242 = vector.broadcast %mul3A_241 : i32 to vector<16xi32>
        %add3A_243 = arith.addi %add3A_242, %select_n3A_239 : vector<16xi32>
        %jit3A_244 = arith.constant 8 : i32
        %eq3A_245 = arith.constant 0 : i32
        %eq3A_246 = arith.cmpi eq, %jit3A_244, %eq3A_245 : i32
        %jit3A_247 = arith.constant 1 : i32
        %select_n3A_248 = arith.select %eq3A_246, %jit3A_247, %jit3A_244 : i32
        %rem3A_249 = vector.broadcast %select_n3A_248 : i32 to vector<16xi32>
        %rem3A_250 = arith.remsi %iota3A, %rem3A_249 : vector<16xi32>
        %ne3A_251 = arith.constant 0 : i32
        %ne3A_252 = vector.broadcast %ne3A_251 : i32 to vector<16xi32>
        %ne3A_253 = arith.cmpi ne, %rem3A_250, %ne3A_252 : vector<16xi32>
        %lt3A_254 = arith.constant 0 : i32
        %lt3A_255 = vector.broadcast %lt3A_254 : i32 to vector<16xi32>
        %lt3A_256 = arith.cmpi slt, %rem3A_250, %lt3A_255 : vector<16xi32>
        %lt3A_257 = arith.constant 0 : i32
        %lt3A_258 = arith.cmpi slt, %select_n3A_248, %lt3A_257 : i32
        %ne3A_259 = vector.broadcast %lt3A_258 : i1 to vector<16xi1>
        %ne3A_260 = vector.broadcast %ne3A_259 : vector<16xi1> to vector<16xi1>
        %ne3A_261 = arith.xori %lt3A_256, %ne3A_260 : vector<16xi1>
        %and3A_262 = arith.andi %ne3A_261, %ne3A_253 : vector<16xi1>
        %add3A_263 = vector.broadcast %select_n3A_248 : i32 to vector<16xi32>
        %add3A_264 = arith.addi %rem3A_250, %add3A_263 : vector<16xi32>
        %select_n3A_265 = arith.select %and3A_262, %add3A_264, %rem3A_250 : vector<16xi1>, vector<16xi32>
        %mul3A_266 = arith.constant 16 : i32
        %mul3A_267 = vector.broadcast %mul3A_266 : i32 to vector<16xi32>
        %mul3A_268 = arith.muli %select_n3A_265, %mul3A_267 : vector<16xi32>
        %add3A_269 = vector.broadcast %select_n3A_208 : i32 to vector<16xi32>
        %add3A_270 = arith.addi %mul3A_268, %add3A_269 : vector<16xi32>
        %gather3A = tpu.vector_load_idx %arg5[%add3A_243, %add3A_270] : memref<32x128xf32, #tpu.memory_space<vmem>>[vector<16xi32>, vector<16xi32>], vector<16xf32>,
        %eq3A_271 = vector.broadcast %reduce_max3A_153 : f32 to vector<16xf32>
        %eq3A_272 = arith.cmpf oeq, %gather3A, %eq3A_271 : vector<16xf32>
        %broadcast_in_dim3A_273 = arith.constant 1073741824 : i32
        %broadcast_in_dim3A_274 = vector.broadcast %broadcast_in_dim3A_273 : i32 to vector<16xi32>
        %select_n3A_275 = arith.select %eq3A_272, %iota3A, %broadcast_in_dim3A_274 : vector<16xi1>, vector<16xi32>
        %reduce_min3A_276 = arith.constant true
        %reduce_min3A_277 = vector.broadcast %reduce_min3A_276 : i1 to vector<16xi1>
        %reduce_min3A_278 = arith.constant -2147483648 : i32
        %reduce_min3A_279 = vector.broadcast %reduce_min3A_278 : i32 to vector<16xi32>
        %reduce_min3A_280 = arith.xori %select_n3A_275, %reduce_min3A_279 : vector<16xi32>
        %reduce_min3A_281 = tpu.scan <min>, %reduce_min3A_280 masked %reduce_min3A_277 : vector<16xi32>, vector<16xi1> -> vector<16xi32>
        %reduce_min3A_282 = arith.xori %reduce_min3A_281, %reduce_min3A_279 : vector<16xi32>
        %reduce_min3A_283 = vector.extract %reduce_min3A_282[15] : i32 from vector<16xi32>
        %mul3A_284 = arith.constant 256 : i32
        %mul3A_285 = arith.muli %select_n3A_192, %mul3A_284 : i32
        %mul3A_286 = arith.constant 16 : i32
        %mul3A_287 = arith.muli %reduce_min3A_283, %mul3A_286 : i32
        %add3A_288 = arith.addi %mul3A_285, %mul3A_287 : i32
        %add3A_289 = arith.addi %add3A_288, %select_n3A_208 : i32
        %eq3A_290 = vector.broadcast %scan3A_138 : i32 to vector<16xi32>
        %eq3A_291 = arith.cmpi eq, %iota3A, %eq3A_290 : vector<16xi32>
        %broadcast_in_dim3A_292 = vector.broadcast %reduce_max3A_153 : f32 to vector<16xf32>
        %select_n3A_293 = arith.select %eq3A_291, %broadcast_in_dim3A_292, %scan3A_139 : vector<16xi1>, vector<16xf32>
        %sub3A_294 = arith.constant 16 : i32
        %sub3A_295 = arith.subi %scan3A_138, %sub3A_294 : i32
        %eq3A_296 = vector.broadcast %sub3A_295 : i32 to vector<16xi32>
        %eq3A_297 = arith.cmpi eq, %iota3A, %eq3A_296 : vector<16xi32>
        %broadcast_in_dim3A_298 = vector.broadcast %reduce_max3A_153 : f32 to vector<16xf32>
        %select_n3A_299 = arith.select %eq3A_297, %broadcast_in_dim3A_298, %scan3A_140 : vector<16xi1>, vector<16xf32>
        %eq3A_300 = vector.broadcast %scan3A_138 : i32 to vector<16xi32>
        %eq3A_301 = arith.cmpi eq, %iota3A, %eq3A_300 : vector<16xi32>
        %broadcast_in_dim3A_302 = vector.broadcast %add3A_289 : i32 to vector<16xi32>
        %select_n3A_303 = arith.select %eq3A_301, %broadcast_in_dim3A_302, %scan3A_141 : vector<16xi1>, vector<16xi32>
        %sub3A_304 = arith.constant 16 : i32
        %sub3A_305 = arith.subi %scan3A_138, %sub3A_304 : i32
        %eq3A_306 = vector.broadcast %sub3A_305 : i32 to vector<16xi32>
        %eq3A_307 = arith.cmpi eq, %iota3A, %eq3A_306 : vector<16xi32>
        %broadcast_in_dim3A_308 = vector.broadcast %add3A_289 : i32 to vector<16xi32>
        %select_n3A_309 = arith.select %eq3A_307, %broadcast_in_dim3A_308, %scan3A_142 : vector<16xi1>, vector<16xi32>
        %jit3A_310 = arith.constant 256 : i32
        %eq3A_311 = arith.constant 0 : i32
        %eq3A_312 = arith.cmpi eq, %jit3A_310, %eq3A_311 : i32
        %jit3A_313 = arith.constant 1 : i32
        %select_n3A_314 = arith.select %eq3A_312, %jit3A_313, %jit3A_310 : i32
        %rem3A_315 = arith.remsi %add3A_289, %select_n3A_314 : i32
        %ne3A_316 = arith.constant 0 : i32
        %ne3A_317 = arith.cmpi ne, %rem3A_315, %ne3A_316 : i32
        %lt3A_318 = arith.constant 0 : i32
        %lt3A_319 = arith.cmpi slt, %rem3A_315, %lt3A_318 : i32
        %lt3A_320 = arith.constant 0 : i32
        %lt3A_321 = arith.cmpi slt, %select_n3A_314, %lt3A_320 : i32
        %ne3A_322 = arith.xori %lt3A_319, %lt3A_321 : i1
        %and3A_323 = arith.andi %ne3A_322, %ne3A_317 : i1
        %add3A_324 = arith.addi %rem3A_315, %select_n3A_314 : i32
        %select_n3A_325 = arith.select %and3A_323, %add3A_324, %rem3A_315 : i32
        %jit3A_326 = arith.constant 128 : i32
        %div3A_327 = arith.divsi %select_n3A_325, %jit3A_326 : i32
        %sign3A_328 = arith.constant 0 : i32
        %sign3A_329 = arith.cmpi sgt, %select_n3A_325, %sign3A_328 : i32
        %sign3A_330 = arith.extui %sign3A_329 : i1 to i32
        %sign3A_331 = arith.constant 0 : i32
        %sign3A_332 = arith.cmpi slt, %select_n3A_325, %sign3A_331 : i32
        %sign3A_333 = arith.extui %sign3A_332 : i1 to i32
        %sign3A_334 = arith.subi %sign3A_330, %sign3A_333 : i32
        %sign3A_335 = arith.constant 0 : i32
        %sign3A_336 = arith.cmpi sgt, %jit3A_326, %sign3A_335 : i32
        %sign3A_337 = arith.extui %sign3A_336 : i1 to i32
        %sign3A_338 = arith.constant 0 : i32
        %sign3A_339 = arith.cmpi slt, %jit3A_326, %sign3A_338 : i32
        %sign3A_340 = arith.extui %sign3A_339 : i1 to i32
        %sign3A_341 = arith.subi %sign3A_337, %sign3A_340 : i32
        %ne3A_342 = arith.cmpi ne, %sign3A_334, %sign3A_341 : i32
        %rem3A_343 = arith.remsi %select_n3A_325, %jit3A_326 : i32
        %ne3A_344 = arith.constant 0 : i32
        %ne3A_345 = arith.cmpi ne, %rem3A_343, %ne3A_344 : i32
        %and3A_346 = arith.andi %ne3A_342, %ne3A_345 : i1
        %sub3A_347 = arith.constant 1 : i32
        %sub3A_348 = arith.subi %div3A_327, %sub3A_347 : i32
        %select_n3A_349 = arith.select %and3A_346, %sub3A_348, %div3A_327 : i32
        %mul3A_350 = arith.constant 2 : i32
        %mul3A_351 = arith.muli %mul3A_350, %select_n3A_192 : i32
        %add3A_352 = arith.addi %mul3A_351, %select_n3A_349 : i32
        %broadcast_in_dim3A_353 = vector.broadcast %add3A_352 : i32 to vector<16xi32>
        %jit3A_354 = arith.constant 128 : i32
        %eq3A_355 = arith.constant 0 : i32
        %eq3A_356 = arith.cmpi eq, %jit3A_354, %eq3A_355 : i32
        %jit3A_357 = arith.constant 1 : i32
        %select_n3A_358 = arith.select %eq3A_356, %jit3A_357, %jit3A_354 : i32
        %rem3A_359 = arith.remsi %select_n3A_325, %select_n3A_358 : i32
        %ne3A_360 = arith.constant 0 : i32
        %ne3A_361 = arith.cmpi ne, %rem3A_359, %ne3A_360 : i32
        %lt3A_362 = arith.constant 0 : i32
        %lt3A_363 = arith.cmpi slt, %rem3A_359, %lt3A_362 : i32
        %lt3A_364 = arith.constant 0 : i32
        %lt3A_365 = arith.cmpi slt, %select_n3A_358, %lt3A_364 : i32
        %ne3A_366 = arith.xori %lt3A_363, %lt3A_365 : i1
        %and3A_367 = arith.andi %ne3A_366, %ne3A_361 : i1
        %add3A_368 = arith.addi %rem3A_359, %select_n3A_358 : i32
        %select_n3A_369 = arith.select %and3A_367, %add3A_368, %rem3A_359 : i32
        %broadcast_in_dim3A_370 = vector.broadcast %select_n3A_369 : i32 to vector<16xi32>
        %broadcast_in_dim3A_371 = arith.constant 0xFF800000 : f32
        %broadcast_in_dim3A_372 = vector.broadcast %broadcast_in_dim3A_371 : f32 to vector<16xf32>
        %iota3A_373 = tpu.iota {dimensions = array<i32: 0>} : vector<16xi32>
        %eq3A_374 = arith.constant 0 : i32
        %eq3A_375 = vector.broadcast %eq3A_374 : i32 to vector<16xi32>
        %eq3A_376 = arith.cmpi eq, %iota3A_373, %eq3A_375 : vector<16xi32>
        tpu.vector_store_idx %arg5[%broadcast_in_dim3A_353, %broadcast_in_dim3A_370], %broadcast_in_dim3A_372 masked %eq3A_376 : memref<32x128xf32, #tpu.memory_space<vmem>>[vector<16xi32>, vector<16xi32>], vector<16xf32>, vector<16xi1>
        %gather3A_377 = tpu.vector_load_idx %arg5[%add3A_243, %add3A_270] : memref<32x128xf32, #tpu.memory_space<vmem>>[vector<16xi32>, vector<16xi32>], vector<16xf32>,
        %broadcast_in_dim3A_378 = vector.broadcast %reduce_min3A_168 : i32 to vector<16xi32>
        %reduce_max3A_379 = arith.constant true
        %reduce_max3A_380 = vector.broadcast %reduce_max3A_379 : i1 to vector<16xi1>
        %reduce_max3A_381 = tpu.scan <max>, %gather3A_377 masked %reduce_max3A_380 : vector<16xf32>, vector<16xi1> -> vector<16xf32>
        %reduce_max3A_382 = vector.extract %reduce_max3A_381[15] : f32 from vector<16xf32>
        %broadcast_in_dim3A_383 = vector.broadcast %reduce_max3A_382 : f32 to vector<16xf32>
        %iota3A_384 = tpu.iota {dimensions = array<i32: 0>} : vector<16xi32>
        %eq3A_385 = arith.constant 0 : i32
        %eq3A_386 = vector.broadcast %eq3A_385 : i32 to vector<16xi32>
        %eq3A_387 = arith.cmpi eq, %iota3A_384, %eq3A_386 : vector<16xi32>
        tpu.vector_store_idx %arg6[%broadcast_in_dim3A_378], %broadcast_in_dim3A_383 masked %eq3A_387 : memref<256xf32, #tpu.memory_space<vmem>>[vector<16xi32>], vector<16xf32>, vector<16xi1>
        scf.yield %select_n3A_293, %select_n3A_299, %select_n3A_303, %select_n3A_309 : vector<16xf32>, vector<16xf32>, vector<16xi32>, vector<16xi32>
      }
      %scan3A_65 = arith.constant 32 : i32
      %mul3A_66 = arith.constant 4096 : i32
      %mul3A_67 = arith.muli %add3A_43, %mul3A_66 : i32
      %mul3A_68 = arith.constant 2 : i32
      %mul3A_69 = arith.muli %mul3A_68, %mul3A_67 : i32
      %mul3A_70 = arith.constant 2 : i32
      %mul3A_71 = vector.broadcast %mul3A_70 : i32 to vector<16xi32>
      %mul3A_72 = arith.muli %mul3A_71, %scan3A_64#2 : vector<16xi32>
      %add3A_73 = vector.broadcast %mul3A_69 : i32 to vector<16xi32>
      %add3A_74 = arith.addi %mul3A_72, %add3A_73 : vector<16xi32>
      %swap3A = arith.constant 0 : index
      %swap3A_75 = tpu.vector_load %arg9[%swap3A] {strides = array<i32>} : memref<64xi32, #tpu.memory_space<vmem>>, vector<16xi32>,
      tpu.vector_store %arg9[%swap3A], %add3A_74 {strides = array<i32>} : memref<64xi32, #tpu.memory_space<vmem>>, vector<16xi32>,
      %mul3A_76 = arith.constant 2 : i32
      %mul3A_77 = vector.broadcast %mul3A_76 : i32 to vector<16xi32>
      %mul3A_78 = arith.muli %mul3A_77, %scan3A_64#3 : vector<16xi32>
      %add3A_79 = vector.broadcast %mul3A_69 : i32 to vector<16xi32>
      %add3A_80 = arith.addi %mul3A_78, %add3A_79 : vector<16xi32>
      %swap3A_81 = arith.constant 16 : index
      %swap3A_82 = tpu.vector_load %arg9[%swap3A_81] {strides = array<i32>} : memref<64xi32, #tpu.memory_space<vmem>>, vector<16xi32>,
      tpu.vector_store %arg9[%swap3A_81], %add3A_80 {strides = array<i32>} : memref<64xi32, #tpu.memory_space<vmem>>, vector<16xi32>,
      %mul3A_83 = arith.constant 2 : i32
      %mul3A_84 = vector.broadcast %mul3A_83 : i32 to vector<16xi32>
      %mul3A_85 = arith.muli %mul3A_84, %scan3A_64#2 : vector<16xi32>
      %add3A_86 = arith.constant 1 : i32
      %add3A_87 = arith.addi %mul3A_69, %add3A_86 : i32
      %add3A_88 = vector.broadcast %add3A_87 : i32 to vector<16xi32>
      %add3A_89 = arith.addi %mul3A_85, %add3A_88 : vector<16xi32>
      %swap3A_90 = arith.constant 32 : index
      %swap3A_91 = tpu.vector_load %arg9[%swap3A_90] {strides = array<i32>} : memref<64xi32, #tpu.memory_space<vmem>>, vector<16xi32>,
      tpu.vector_store %arg9[%swap3A_90], %add3A_89 {strides = array<i32>} : memref<64xi32, #tpu.memory_space<vmem>>, vector<16xi32>,
      %mul3A_92 = arith.constant 2 : i32
      %mul3A_93 = vector.broadcast %mul3A_92 : i32 to vector<16xi32>
      %mul3A_94 = arith.muli %mul3A_93, %scan3A_64#3 : vector<16xi32>
      %add3A_95 = arith.constant 1 : i32
      %add3A_96 = arith.addi %mul3A_69, %add3A_95 : i32
      %add3A_97 = vector.broadcast %add3A_96 : i32 to vector<16xi32>
      %add3A_98 = arith.addi %mul3A_94, %add3A_97 : vector<16xi32>
      %swap3A_99 = arith.constant 48 : index
      %swap3A_100 = tpu.vector_load %arg9[%swap3A_99] {strides = array<i32>} : memref<64xi32, #tpu.memory_space<vmem>>, vector<16xi32>,
      tpu.vector_store %arg9[%swap3A_99], %add3A_98 {strides = array<i32>} : memref<64xi32, #tpu.memory_space<vmem>>, vector<16xi32>,
      %dma_start3A = arith.constant 0 : i32
      %dma_start3A_101 = arith.constant 0 : i32
      %dma_start3A_102 = tpu.memref_slice %arg2[%dma_start3A, %dma_start3A_101] : memref<524288x128xf32, #tpu.memory_space<hbm>> -> memref<524288x128xf32, #tpu.memory_space<hbm>>
      tpu.enqueue_indirect_dma source(%dma_start3A_102 : memref<524288x128xf32, #tpu.memory_space<hbm>>) target(%arg7 : memref<64x128xf32, #tpu.memory_space<vmem>>) offsets(%arg9 : memref<64xi32, #tpu.memory_space<vmem>>) semaphore(%arg11 : memref<!tpu.dma_semaphore, #tpu.memory_space<semaphore_mem>>)
      %dma_wait3A = arith.constant 0 : i32
      %dma_wait3A_103 = arith.constant 0 : i32
      %dma_wait3A_104 = tpu.memref_slice %arg2[%dma_wait3A, %dma_wait3A_103] : memref<524288x128xf32, #tpu.memory_space<hbm>> -> memref<524288x128xf32, #tpu.memory_space<hbm>>
      tpu.wait_indirect_dma semaphore(%arg11 : memref<!tpu.dma_semaphore, #tpu.memory_space<semaphore_mem>>) src(%dma_wait3A_104 : memref<524288x128xf32, #tpu.memory_space<hbm>>) dst(%arg7 : memref<64x128xf32, #tpu.memory_space<vmem>>)
      %scan3A_105 = arith.constant 0 : i32
      %scan3A_106 = arith.constant 0 : i32
      %scan3A_107 = arith.constant 32 : i32
      %scan3A_108 = arith.addi %scan3A_106, %scan3A_107 : i32
      %scan3A_109 = arith.constant 1 : i32
      %scan3A_110 = scf.for %scan3A_138 = %scan3A_106 to %scan3A_108 step %scan3A_109 iter_args(%scan3A_139 = %scan3A_105) -> (i32)  : i32 {
        %broadcast_in_dim3A_140 = arith.constant 0xFF800000 : f32
        %broadcast_in_dim3A_141 = vector.broadcast %broadcast_in_dim3A_140 : f32 to vector<16xf32>
        %scan3A_142 = arith.constant 0 : i32
        %scan3A_143 = arith.constant 16 : i32
        %scan3A_144 = arith.addi %scan3A_142, %scan3A_143 : i32
        %scan3A_145 = arith.constant 1 : i32
        %scan3A_146 = scf.for %scan3A_153 = %scan3A_142 to %scan3A_144 step %scan3A_145 iter_args(%scan3A_154 = %broadcast_in_dim3A_141) -> (vector<16xf32>)  : i32 {
          %jit3A_155 = arith.constant 8 : i32
          %div3A_156 = arith.divsi %scan3A_153, %jit3A_155 : i32
          %sign3A_157 = arith.constant 0 : i32
          %sign3A_158 = arith.cmpi sgt, %scan3A_153, %sign3A_157 : i32
          %sign3A_159 = arith.extui %sign3A_158 : i1 to i32
          %sign3A_160 = arith.constant 0 : i32
          %sign3A_161 = arith.cmpi slt, %scan3A_153, %sign3A_160 : i32
          %sign3A_162 = arith.extui %sign3A_161 : i1 to i32
          %sign3A_163 = arith.subi %sign3A_159, %sign3A_162 : i32
          %sign3A_164 = arith.constant 0 : i32
          %sign3A_165 = arith.cmpi sgt, %jit3A_155, %sign3A_164 : i32
          %sign3A_166 = arith.extui %sign3A_165 : i1 to i32
          %sign3A_167 = arith.constant 0 : i32
          %sign3A_168 = arith.cmpi slt, %jit3A_155, %sign3A_167 : i32
          %sign3A_169 = arith.extui %sign3A_168 : i1 to i32
          %sign3A_170 = arith.subi %sign3A_166, %sign3A_169 : i32
          %ne3A_171 = arith.cmpi ne, %sign3A_163, %sign3A_170 : i32
          %rem3A_172 = arith.remsi %scan3A_153, %jit3A_155 : i32
          %ne3A_173 = arith.constant 0 : i32
          %ne3A_174 = arith.cmpi ne, %rem3A_172, %ne3A_173 : i32
          %and3A_175 = arith.andi %ne3A_171, %ne3A_174 : i1
          %sub3A_176 = arith.constant 1 : i32
          %sub3A_177 = arith.subi %div3A_156, %sub3A_176 : i32
          %select_n3A_178 = arith.select %and3A_175, %sub3A_177, %div3A_156 : i32
          %mul3A_179 = arith.constant 32 : i32
          %mul3A_180 = arith.muli %mul3A_179, %select_n3A_178 : i32
          %add3A_181 = arith.addi %scan3A_138, %mul3A_180 : i32
          %jit3A_182 = arith.constant 8 : i32
          %eq3A_183 = arith.constant 0 : i32
          %eq3A_184 = arith.cmpi eq, %jit3A_182, %eq3A_183 : i32
          %jit3A_185 = arith.constant 1 : i32
          %select_n3A_186 = arith.select %eq3A_184, %jit3A_185, %jit3A_182 : i32
          %rem3A_187 = arith.remsi %scan3A_153, %select_n3A_186 : i32
          %ne3A_188 = arith.constant 0 : i32
          %ne3A_189 = arith.cmpi ne, %rem3A_187, %ne3A_188 : i32
          %lt3A_190 = arith.constant 0 : i32
          %lt3A_191 = arith.cmpi slt, %rem3A_187, %lt3A_190 : i32
          %lt3A_192 = arith.constant 0 : i32
          %lt3A_193 = arith.cmpi slt, %select_n3A_186, %lt3A_192 : i32
          %ne3A_194 = arith.xori %lt3A_191, %lt3A_193 : i1
          %and3A_195 = arith.andi %ne3A_194, %ne3A_189 : i1
          %add3A_196 = arith.addi %rem3A_187, %select_n3A_186 : i32
          %select_n3A_197 = arith.select %and3A_195, %add3A_196, %rem3A_187 : i32
          %mul3A_198 = arith.constant 16 : i32
          %mul3A_199 = arith.muli %select_n3A_197, %mul3A_198 : i32
          %get3A = arith.index_cast %add3A_181 : i32 to index
          %get3A_200 = arith.index_cast %mul3A_199 : i32 to index
          %get3A_201 = tpu.vector_load %arg7[%get3A, %get3A_200] {strides = array<i32>} : memref<64x128xf32, #tpu.memory_space<vmem>>, vector<16xf32>,
          %max3A = arith.maximumf %scan3A_154, %get3A_201 : vector<16xf32>
          scf.yield %max3A : vector<16xf32>
        }
        %scan3A_147 = arith.constant 16 : i32
        %mul3A_148 = arith.constant 16 : i32
        %mul3A_149 = arith.muli %scan3A_138, %mul3A_148 : i32
        %swap3A_150 = arith.index_cast %mul3A_149 : i32 to index
        %swap3A_151 = tpu.vector_load %arg8[%swap3A_150] {strides = array<i32>} : memref<512xf32, #tpu.memory_space<vmem>>, vector<16xf32>,
        tpu.vector_store %arg8[%swap3A_150], %scan3A_146 {strides = array<i32>} : memref<512xf32, #tpu.memory_space<vmem>>, vector<16xf32>,
        %scan3A_152 = arith.constant 0 : i32
        scf.yield %scan3A_152 : i32
      }
      %scan3A_111 = arith.constant 32 : i32
      %iota3A_112 = tpu.iota {dimensions = array<i32: 0>} : vector<16xi32>
      %broadcast_in_dim3A_113 = arith.constant 0xFF800000 : f32
      %broadcast_in_dim3A_114 = vector.broadcast %broadcast_in_dim3A_113 : f32 to vector<16xf32>
      %broadcast_in_dim3A_115 = arith.constant 0xFF800000 : f32
      %broadcast_in_dim3A_116 = vector.broadcast %broadcast_in_dim3A_115 : f32 to vector<16xf32>
      %broadcast_in_dim3A_117 = arith.constant 0 : i32
      %broadcast_in_dim3A_118 = vector.broadcast %broadcast_in_dim3A_117 : i32 to vector<16xi32>
      %broadcast_in_dim3A_119 = arith.constant 0 : i32
      %broadcast_in_dim3A_120 = vector.broadcast %broadcast_in_dim3A_119 : i32 to vector<16xi32>
      %scan3A_121 = arith.constant 0 : i32
      %scan3A_122 = arith.constant 32 : i32
      %scan3A_123 = arith.addi %scan3A_121, %scan3A_122 : i32
      %scan3A_124 = arith.constant 1 : i32
      %scan3A_125:4 = scf.for %scan3A_138 = %scan3A_121 to %scan3A_123 step %scan3A_124 iter_args(%scan3A_139 = %broadcast_in_dim3A_114, %scan3A_140 = %broadcast_in_dim3A_116, %scan3A_141 = %broadcast_in_dim3A_118, %scan3A_142 = %broadcast_in_dim3A_120) -> (vector<16xf32>, vector<16xf32>, vector<16xi32>, vector<16xi32>)  : i32 {
        %broadcast_in_dim3A_143 = arith.constant 0xFF800000 : f32
        %broadcast_in_dim3A_144 = vector.broadcast %broadcast_in_dim3A_143 : f32 to vector<16xf32>
        %scan3A_145 = arith.constant 0 : i32
        %scan3A_146 = arith.constant 32 : i32
        %scan3A_147 = arith.addi %scan3A_145, %scan3A_146 : i32
        %scan3A_148 = arith.constant 1 : i32
        %scan3A_149 = scf.for %scan3A_389 = %scan3A_145 to %scan3A_147 step %scan3A_148 iter_args(%scan3A_390 = %broadcast_in_dim3A_144) -> (vector<16xf32>)  : i32 {
          %mul3A_391 = arith.constant 16 : i32
          %mul3A_392 = arith.muli %scan3A_389, %mul3A_391 : i32
          %get3A = arith.index_cast %mul3A_392 : i32 to index
          %get3A_393 = tpu.vector_load %arg8[%get3A] {strides = array<i32>} : memref<512xf32, #tpu.memory_space<vmem>>, vector<16xf32>,
          %max3A = arith.maximumf %scan3A_390, %get3A_393 : vector<16xf32>
          scf.yield %max3A : vector<16xf32>
        }
        %scan3A_150 = arith.constant 32 : i32
        %reduce_max3A = arith.constant true
        %reduce_max3A_151 = vector.broadcast %reduce_max3A : i1 to vector<16xi1>
        %reduce_max3A_152 = tpu.scan <max>, %scan3A_149 masked %reduce_max3A_151 : vector<16xf32>, vector<16xi1> -> vector<16xf32>
        %reduce_max3A_153 = vector.extract %reduce_max3A_152[15] : f32 from vector<16xf32>
        %broadcast_in_dim3A_154 = arith.constant 1073741824 : i32
        %broadcast_in_dim3A_155 = vector.broadcast %broadcast_in_dim3A_154 : i32 to vector<16xi32>
        %scan3A_156 = arith.constant 0 : i32
        %scan3A_157 = arith.constant 32 : i32
        %scan3A_158 = arith.addi %scan3A_156, %scan3A_157 : i32
        %scan3A_159 = arith.constant 1 : i32
        %scan3A_160 = scf.for %scan3A_389 = %scan3A_156 to %scan3A_158 step %scan3A_159 iter_args(%scan3A_390 = %broadcast_in_dim3A_155) -> (vector<16xi32>)  : i32 {
          %mul3A_391 = arith.constant 16 : i32
          %mul3A_392 = arith.muli %scan3A_389, %mul3A_391 : i32
          %get3A = arith.index_cast %mul3A_392 : i32 to index
          %get3A_393 = tpu.vector_load %arg8[%get3A] {strides = array<i32>} : memref<512xf32, #tpu.memory_space<vmem>>, vector<16xf32>,
          %mul3A_394 = arith.constant 16 : i32
          %mul3A_395 = arith.muli %scan3A_389, %mul3A_394 : i32
          %add3A_396 = vector.broadcast %mul3A_395 : i32 to vector<16xi32>
          %add3A_397 = arith.addi %iota3A_112, %add3A_396 : vector<16xi32>
          %eq3A_398 = vector.broadcast %reduce_max3A_153 : f32 to vector<16xf32>
          %eq3A_399 = arith.cmpf oeq, %get3A_393, %eq3A_398 : vector<16xf32>
          %jit3A_400 = arith.constant 1073741824 : i32
          %broadcast_in_dim3A_401 = vector.broadcast %jit3A_400 : i32 to vector<16xi32>
          %select_n3A_402 = arith.select %eq3A_399, %add3A_397, %broadcast_in_dim3A_401 : vector<16xi1>, vector<16xi32>
          %min3A = arith.minsi %scan3A_390, %select_n3A_402 : vector<16xi32>
          scf.yield %min3A : vector<16xi32>
        }
        %scan3A_161 = arith.constant 32 : i32
        %reduce_min3A = arith.constant true
        %reduce_min3A_162 = vector.broadcast %reduce_min3A : i1 to vector<16xi1>
        %reduce_min3A_163 = arith.constant -2147483648 : i32
        %reduce_min3A_164 = vector.broadcast %reduce_min3A_163 : i32 to vector<16xi32>
        %reduce_min3A_165 = arith.xori %scan3A_160, %reduce_min3A_164 : vector<16xi32>
        %reduce_min3A_166 = tpu.scan <min>, %reduce_min3A_165 masked %reduce_min3A_162 : vector<16xi32>, vector<16xi1> -> vector<16xi32>
        %reduce_min3A_167 = arith.xori %reduce_min3A_166, %reduce_min3A_164 : vector<16xi32>
        %reduce_min3A_168 = vector.extract %reduce_min3A_167[15] : i32 from vector<16xi32>
        %jit3A_169 = arith.constant 16 : i32
        %div3A_170 = arith.divsi %reduce_min3A_168, %jit3A_169 : i32
        %sign3A_171 = arith.constant 0 : i32
        %sign3A_172 = arith.cmpi sgt, %reduce_min3A_168, %sign3A_171 : i32
        %sign3A_173 = arith.extui %sign3A_172 : i1 to i32
        %sign3A_174 = arith.constant 0 : i32
        %sign3A_175 = arith.cmpi slt, %reduce_min3A_168, %sign3A_174 : i32
        %sign3A_176 = arith.extui %sign3A_175 : i1 to i32
        %sign3A_177 = arith.subi %sign3A_173, %sign3A_176 : i32
        %sign3A_178 = arith.constant 0 : i32
        %sign3A_179 = arith.cmpi sgt, %jit3A_169, %sign3A_178 : i32
        %sign3A_180 = arith.extui %sign3A_179 : i1 to i32
        %sign3A_181 = arith.constant 0 : i32
        %sign3A_182 = arith.cmpi slt, %jit3A_169, %sign3A_181 : i32
        %sign3A_183 = arith.extui %sign3A_182 : i1 to i32
        %sign3A_184 = arith.subi %sign3A_180, %sign3A_183 : i32
        %ne3A_185 = arith.cmpi ne, %sign3A_177, %sign3A_184 : i32
        %rem3A_186 = arith.remsi %reduce_min3A_168, %jit3A_169 : i32
        %ne3A_187 = arith.constant 0 : i32
        %ne3A_188 = arith.cmpi ne, %rem3A_186, %ne3A_187 : i32
        %and3A_189 = arith.andi %ne3A_185, %ne3A_188 : i1
        %sub3A_190 = arith.constant 1 : i32
        %sub3A_191 = arith.subi %div3A_170, %sub3A_190 : i32
        %select_n3A_192 = arith.select %and3A_189, %sub3A_191, %div3A_170 : i32
        %jit3A_193 = arith.constant 16 : i32
        %eq3A_194 = arith.constant 0 : i32
        %eq3A_195 = arith.cmpi eq, %jit3A_193, %eq3A_194 : i32
        %jit3A_196 = arith.constant 1 : i32
        %select_n3A_197 = arith.select %eq3A_195, %jit3A_196, %jit3A_193 : i32
        %rem3A_198 = arith.remsi %reduce_min3A_168, %select_n3A_197 : i32
        %ne3A_199 = arith.constant 0 : i32
        %ne3A_200 = arith.cmpi ne, %rem3A_198, %ne3A_199 : i32
        %lt3A_201 = arith.constant 0 : i32
        %lt3A_202 = arith.cmpi slt, %rem3A_198, %lt3A_201 : i32
        %lt3A_203 = arith.constant 0 : i32
        %lt3A_204 = arith.cmpi slt, %select_n3A_197, %lt3A_203 : i32
        %ne3A_205 = arith.xori %lt3A_202, %lt3A_204 : i1
        %and3A_206 = arith.andi %ne3A_205, %ne3A_200 : i1
        %add3A_207 = arith.addi %rem3A_198, %select_n3A_197 : i32
        %select_n3A_208 = arith.select %and3A_206, %add3A_207, %rem3A_198 : i32
        %jit3A_209 = arith.constant 8 : i32
        %div3A_210 = vector.broadcast %jit3A_209 : i32 to vector<16xi32>
        %div3A_211 = arith.divsi %iota3A_112, %div3A_210 : vector<16xi32>
        %sign3A_212 = arith.constant 0 : i32
        %sign3A_213 = vector.broadcast %sign3A_212 : i32 to vector<16xi32>
        %sign3A_214 = arith.cmpi sgt, %iota3A_112, %sign3A_213 : vector<16xi32>
        %sign3A_215 = arith.extui %sign3A_214 : vector<16xi1> to vector<16xi32>
        %sign3A_216 = arith.constant 0 : i32
        %sign3A_217 = vector.broadcast %sign3A_216 : i32 to vector<16xi32>
        %sign3A_218 = arith.cmpi slt, %iota3A_112, %sign3A_217 : vector<16xi32>
        %sign3A_219 = arith.extui %sign3A_218 : vector<16xi1> to vector<16xi32>
        %sign3A_220 = arith.subi %sign3A_215, %sign3A_219 : vector<16xi32>
        %sign3A_221 = arith.constant 0 : i32
        %sign3A_222 = arith.cmpi sgt, %jit3A_209, %sign3A_221 : i32
        %sign3A_223 = arith.extui %sign3A_222 : i1 to i32
        %sign3A_224 = arith.constant 0 : i32
        %sign3A_225 = arith.cmpi slt, %jit3A_209, %sign3A_224 : i32
        %sign3A_226 = arith.extui %sign3A_225 : i1 to i32
        %sign3A_227 = arith.subi %sign3A_223, %sign3A_226 : i32
        %ne3A_228 = vector.broadcast %sign3A_227 : i32 to vector<16xi32>
        %ne3A_229 = arith.cmpi ne, %sign3A_220, %ne3A_228 : vector<16xi32>
        %rem3A_230 = vector.broadcast %jit3A_209 : i32 to vector<16xi32>
        %rem3A_231 = arith.remsi %iota3A_112, %rem3A_230 : vector<16xi32>
        %ne3A_232 = arith.constant 0 : i32
        %ne3A_233 = vector.broadcast %ne3A_232 : i32 to vector<16xi32>
        %ne3A_234 = arith.cmpi ne, %rem3A_231, %ne3A_233 : vector<16xi32>
        %and3A_235 = arith.andi %ne3A_229, %ne3A_234 : vector<16xi1>
        %sub3A_236 = arith.constant 1 : i32
        %sub3A_237 = vector.broadcast %sub3A_236 : i32 to vector<16xi32>
        %sub3A_238 = arith.subi %div3A_211, %sub3A_237 : vector<16xi32>
        %select_n3A_239 = arith.select %and3A_235, %sub3A_238, %div3A_211 : vector<16xi1>, vector<16xi32>
        %mul3A_240 = arith.constant 32 : i32
        %mul3A_241 = vector.broadcast %mul3A_240 : i32 to vector<16xi32>
        %mul3A_242 = arith.muli %mul3A_241, %select_n3A_239 : vector<16xi32>
        %add3A_243 = vector.broadcast %select_n3A_192 : i32 to vector<16xi32>
        %add3A_244 = arith.addi %add3A_243, %mul3A_242 : vector<16xi32>
        %jit3A_245 = arith.constant 8 : i32
        %eq3A_246 = arith.constant 0 : i32
        %eq3A_247 = arith.cmpi eq, %jit3A_245, %eq3A_246 : i32
        %jit3A_248 = arith.constant 1 : i32
        %select_n3A_249 = arith.select %eq3A_247, %jit3A_248, %jit3A_245 : i32
        %rem3A_250 = vector.broadcast %select_n3A_249 : i32 to vector<16xi32>
        %rem3A_251 = arith.remsi %iota3A_112, %rem3A_250 : vector<16xi32>
        %ne3A_252 = arith.constant 0 : i32
        %ne3A_253 = vector.broadcast %ne3A_252 : i32 to vector<16xi32>
        %ne3A_254 = arith.cmpi ne, %rem3A_251, %ne3A_253 : vector<16xi32>
        %lt3A_255 = arith.constant 0 : i32
        %lt3A_256 = vector.broadcast %lt3A_255 : i32 to vector<16xi32>
        %lt3A_257 = arith.cmpi slt, %rem3A_251, %lt3A_256 : vector<16xi32>
        %lt3A_258 = arith.constant 0 : i32
        %lt3A_259 = arith.cmpi slt, %select_n3A_249, %lt3A_258 : i32
        %ne3A_260 = vector.broadcast %lt3A_259 : i1 to vector<16xi1>
        %ne3A_261 = vector.broadcast %ne3A_260 : vector<16xi1> to vector<16xi1>
        %ne3A_262 = arith.xori %lt3A_257, %ne3A_261 : vector<16xi1>
        %and3A_263 = arith.andi %ne3A_262, %ne3A_254 : vector<16xi1>
        %add3A_264 = vector.broadcast %select_n3A_249 : i32 to vector<16xi32>
        %add3A_265 = arith.addi %rem3A_251, %add3A_264 : vector<16xi32>
        %select_n3A_266 = arith.select %and3A_263, %add3A_265, %rem3A_251 : vector<16xi1>, vector<16xi32>
        %mul3A_267 = arith.constant 16 : i32
        %mul3A_268 = vector.broadcast %mul3A_267 : i32 to vector<16xi32>
        %mul3A_269 = arith.muli %select_n3A_266, %mul3A_268 : vector<16xi32>
        %add3A_270 = vector.broadcast %select_n3A_208 : i32 to vector<16xi32>
        %add3A_271 = arith.addi %mul3A_269, %add3A_270 : vector<16xi32>
        %gather3A = tpu.vector_load_idx %arg7[%add3A_244, %add3A_271] : memref<64x128xf32, #tpu.memory_space<vmem>>[vector<16xi32>, vector<16xi32>], vector<16xf32>,
        %eq3A_272 = vector.broadcast %reduce_max3A_153 : f32 to vector<16xf32>
        %eq3A_273 = arith.cmpf oeq, %gather3A, %eq3A_272 : vector<16xf32>
        %broadcast_in_dim3A_274 = arith.constant 1073741824 : i32
        %broadcast_in_dim3A_275 = vector.broadcast %broadcast_in_dim3A_274 : i32 to vector<16xi32>
        %select_n3A_276 = arith.select %eq3A_273, %iota3A_112, %broadcast_in_dim3A_275 : vector<16xi1>, vector<16xi32>
        %reduce_min3A_277 = arith.constant true
        %reduce_min3A_278 = vector.broadcast %reduce_min3A_277 : i1 to vector<16xi1>
        %reduce_min3A_279 = arith.constant -2147483648 : i32
        %reduce_min3A_280 = vector.broadcast %reduce_min3A_279 : i32 to vector<16xi32>
        %reduce_min3A_281 = arith.xori %select_n3A_276, %reduce_min3A_280 : vector<16xi32>
        %reduce_min3A_282 = tpu.scan <min>, %reduce_min3A_281 masked %reduce_min3A_278 : vector<16xi32>, vector<16xi1> -> vector<16xi32>
        %reduce_min3A_283 = arith.xori %reduce_min3A_282, %reduce_min3A_280 : vector<16xi32>
        %reduce_min3A_284 = vector.extract %reduce_min3A_283[15] : i32 from vector<16xi32>
        %mul3A_285 = arith.constant 256 : i32
        %mul3A_286 = arith.muli %select_n3A_192, %mul3A_285 : i32
        %mul3A_287 = arith.constant 16 : i32
        %mul3A_288 = arith.muli %reduce_min3A_284, %mul3A_287 : i32
        %add3A_289 = arith.addi %mul3A_286, %mul3A_288 : i32
        %add3A_290 = arith.addi %add3A_289, %select_n3A_208 : i32
        %eq3A_291 = vector.broadcast %scan3A_138 : i32 to vector<16xi32>
        %eq3A_292 = arith.cmpi eq, %iota3A_112, %eq3A_291 : vector<16xi32>
        %broadcast_in_dim3A_293 = vector.broadcast %reduce_max3A_153 : f32 to vector<16xf32>
        %select_n3A_294 = arith.select %eq3A_292, %broadcast_in_dim3A_293, %scan3A_139 : vector<16xi1>, vector<16xf32>
        %sub3A_295 = arith.constant 16 : i32
        %sub3A_296 = arith.subi %scan3A_138, %sub3A_295 : i32
        %eq3A_297 = vector.broadcast %sub3A_296 : i32 to vector<16xi32>
        %eq3A_298 = arith.cmpi eq, %iota3A_112, %eq3A_297 : vector<16xi32>
        %broadcast_in_dim3A_299 = vector.broadcast %reduce_max3A_153 : f32 to vector<16xf32>
        %select_n3A_300 = arith.select %eq3A_298, %broadcast_in_dim3A_299, %scan3A_140 : vector<16xi1>, vector<16xf32>
        %eq3A_301 = vector.broadcast %scan3A_138 : i32 to vector<16xi32>
        %eq3A_302 = arith.cmpi eq, %iota3A_112, %eq3A_301 : vector<16xi32>
        %broadcast_in_dim3A_303 = vector.broadcast %add3A_290 : i32 to vector<16xi32>
        %select_n3A_304 = arith.select %eq3A_302, %broadcast_in_dim3A_303, %scan3A_141 : vector<16xi1>, vector<16xi32>
        %sub3A_305 = arith.constant 16 : i32
        %sub3A_306 = arith.subi %scan3A_138, %sub3A_305 : i32
        %eq3A_307 = vector.broadcast %sub3A_306 : i32 to vector<16xi32>
        %eq3A_308 = arith.cmpi eq, %iota3A_112, %eq3A_307 : vector<16xi32>
        %broadcast_in_dim3A_309 = vector.broadcast %add3A_290 : i32 to vector<16xi32>
        %select_n3A_310 = arith.select %eq3A_308, %broadcast_in_dim3A_309, %scan3A_142 : vector<16xi1>, vector<16xi32>
        %jit3A_311 = arith.constant 256 : i32
        %eq3A_312 = arith.constant 0 : i32
        %eq3A_313 = arith.cmpi eq, %jit3A_311, %eq3A_312 : i32
        %jit3A_314 = arith.constant 1 : i32
        %select_n3A_315 = arith.select %eq3A_313, %jit3A_314, %jit3A_311 : i32
        %rem3A_316 = arith.remsi %add3A_290, %select_n3A_315 : i32
        %ne3A_317 = arith.constant 0 : i32
        %ne3A_318 = arith.cmpi ne, %rem3A_316, %ne3A_317 : i32
        %lt3A_319 = arith.constant 0 : i32
        %lt3A_320 = arith.cmpi slt, %rem3A_316, %lt3A_319 : i32
        %lt3A_321 = arith.constant 0 : i32
        %lt3A_322 = arith.cmpi slt, %select_n3A_315, %lt3A_321 : i32
        %ne3A_323 = arith.xori %lt3A_320, %lt3A_322 : i1
        %and3A_324 = arith.andi %ne3A_323, %ne3A_318 : i1
        %add3A_325 = arith.addi %rem3A_316, %select_n3A_315 : i32
        %select_n3A_326 = arith.select %and3A_324, %add3A_325, %rem3A_316 : i32
        %jit3A_327 = arith.constant 128 : i32
        %div3A_328 = arith.divsi %select_n3A_326, %jit3A_327 : i32
        %sign3A_329 = arith.constant 0 : i32
        %sign3A_330 = arith.cmpi sgt, %select_n3A_326, %sign3A_329 : i32
        %sign3A_331 = arith.extui %sign3A_330 : i1 to i32
        %sign3A_332 = arith.constant 0 : i32
        %sign3A_333 = arith.cmpi slt, %select_n3A_326, %sign3A_332 : i32
        %sign3A_334 = arith.extui %sign3A_333 : i1 to i32
        %sign3A_335 = arith.subi %sign3A_331, %sign3A_334 : i32
        %sign3A_336 = arith.constant 0 : i32
        %sign3A_337 = arith.cmpi sgt, %jit3A_327, %sign3A_336 : i32
        %sign3A_338 = arith.extui %sign3A_337 : i1 to i32
        %sign3A_339 = arith.constant 0 : i32
        %sign3A_340 = arith.cmpi slt, %jit3A_327, %sign3A_339 : i32
        %sign3A_341 = arith.extui %sign3A_340 : i1 to i32
        %sign3A_342 = arith.subi %sign3A_338, %sign3A_341 : i32
        %ne3A_343 = arith.cmpi ne, %sign3A_335, %sign3A_342 : i32
        %rem3A_344 = arith.remsi %select_n3A_326, %jit3A_327 : i32
        %ne3A_345 = arith.constant 0 : i32
        %ne3A_346 = arith.cmpi ne, %rem3A_344, %ne3A_345 : i32
        %and3A_347 = arith.andi %ne3A_343, %ne3A_346 : i1
        %sub3A_348 = arith.constant 1 : i32
        %sub3A_349 = arith.subi %div3A_328, %sub3A_348 : i32
        %select_n3A_350 = arith.select %and3A_347, %sub3A_349, %div3A_328 : i32
        %mul3A_351 = arith.constant 32 : i32
        %mul3A_352 = arith.muli %mul3A_351, %select_n3A_350 : i32
        %add3A_353 = arith.addi %select_n3A_192, %mul3A_352 : i32
        %broadcast_in_dim3A_354 = vector.broadcast %add3A_353 : i32 to vector<16xi32>
        %jit3A_355 = arith.constant 128 : i32
        %eq3A_356 = arith.constant 0 : i32
        %eq3A_357 = arith.cmpi eq, %jit3A_355, %eq3A_356 : i32
        %jit3A_358 = arith.constant 1 : i32
        %select_n3A_359 = arith.select %eq3A_357, %jit3A_358, %jit3A_355 : i32
        %rem3A_360 = arith.remsi %select_n3A_326, %select_n3A_359 : i32
        %ne3A_361 = arith.constant 0 : i32
        %ne3A_362 = arith.cmpi ne, %rem3A_360, %ne3A_361 : i32
        %lt3A_363 = arith.constant 0 : i32
        %lt3A_364 = arith.cmpi slt, %rem3A_360, %lt3A_363 : i32
        %lt3A_365 = arith.constant 0 : i32
        %lt3A_366 = arith.cmpi slt, %select_n3A_359, %lt3A_365 : i32
        %ne3A_367 = arith.xori %lt3A_364, %lt3A_366 : i1
        %and3A_368 = arith.andi %ne3A_367, %ne3A_362 : i1
        %add3A_369 = arith.addi %rem3A_360, %select_n3A_359 : i32
        %select_n3A_370 = arith.select %and3A_368, %add3A_369, %rem3A_360 : i32
        %broadcast_in_dim3A_371 = vector.broadcast %select_n3A_370 : i32 to vector<16xi32>
        %broadcast_in_dim3A_372 = arith.constant 0xFF800000 : f32
        %broadcast_in_dim3A_373 = vector.broadcast %broadcast_in_dim3A_372 : f32 to vector<16xf32>
        %iota3A_374 = tpu.iota {dimensions = array<i32: 0>} : vector<16xi32>
        %eq3A_375 = arith.constant 0 : i32
        %eq3A_376 = vector.broadcast %eq3A_375 : i32 to vector<16xi32>
        %eq3A_377 = arith.cmpi eq, %iota3A_374, %eq3A_376 : vector<16xi32>
        tpu.vector_store_idx %arg7[%broadcast_in_dim3A_354, %broadcast_in_dim3A_371], %broadcast_in_dim3A_373 masked %eq3A_377 : memref<64x128xf32, #tpu.memory_space<vmem>>[vector<16xi32>, vector<16xi32>], vector<16xf32>, vector<16xi1>
        %gather3A_378 = tpu.vector_load_idx %arg7[%add3A_244, %add3A_271] : memref<64x128xf32, #tpu.memory_space<vmem>>[vector<16xi32>, vector<16xi32>], vector<16xf32>,
        %broadcast_in_dim3A_379 = vector.broadcast %reduce_min3A_168 : i32 to vector<16xi32>
        %reduce_max3A_380 = arith.constant true
        %reduce_max3A_381 = vector.broadcast %reduce_max3A_380 : i1 to vector<16xi1>
        %reduce_max3A_382 = tpu.scan <max>, %gather3A_378 masked %reduce_max3A_381 : vector<16xf32>, vector<16xi1> -> vector<16xf32>
        %reduce_max3A_383 = vector.extract %reduce_max3A_382[15] : f32 from vector<16xf32>
        %broadcast_in_dim3A_384 = vector.broadcast %reduce_max3A_383 : f32 to vector<16xf32>
        %iota3A_385 = tpu.iota {dimensions = array<i32: 0>} : vector<16xi32>
        %eq3A_386 = arith.constant 0 : i32
        %eq3A_387 = vector.broadcast %eq3A_386 : i32 to vector<16xi32>
        %eq3A_388 = arith.cmpi eq, %iota3A_385, %eq3A_387 : vector<16xi32>
        tpu.vector_store_idx %arg8[%broadcast_in_dim3A_379], %broadcast_in_dim3A_384 masked %eq3A_388 : memref<512xf32, #tpu.memory_space<vmem>>[vector<16xi32>], vector<16xf32>, vector<16xi1>
        scf.yield %select_n3A_294, %select_n3A_300, %select_n3A_304, %select_n3A_310 : vector<16xf32>, vector<16xf32>, vector<16xi32>, vector<16xi32>
      }
      %scan3A_126 = arith.constant 32 : i32
      %mul3A_127 = arith.constant 32 : i32
      %mul3A_128 = arith.muli %scan3A_39, %mul3A_127 : i32
      %swap3A_129 = arith.index_cast %mul3A_128 : i32 to index
      %swap3A_130 = tpu.vector_load %arg10[%swap3A_129] {strides = array<i32>} : memref<64xf32, #tpu.memory_space<vmem>>, vector<16xf32>,
      tpu.vector_store %arg10[%swap3A_129], %scan3A_125#0 {strides = array<i32>} : memref<64xf32, #tpu.memory_space<vmem>>, vector<16xf32>,
      %mul3A_131 = arith.constant 32 : i32
      %mul3A_132 = arith.muli %scan3A_39, %mul3A_131 : i32
      %add3A_133 = arith.constant 16 : i32
      %add3A_134 = arith.addi %mul3A_132, %add3A_133 : i32
      %swap3A_135 = arith.index_cast %add3A_134 : i32 to index
      %swap3A_136 = tpu.vector_load %arg10[%swap3A_135] {strides = array<i32>} : memref<64xf32, #tpu.memory_space<vmem>>, vector<16xf32>,
      tpu.vector_store %arg10[%swap3A_135], %scan3A_125#1 {strides = array<i32>} : memref<64xf32, #tpu.memory_space<vmem>>, vector<16xf32>,
      %scan3A_137 = arith.constant 0 : i32
      scf.yield %scan3A_137 : i32
    }
    %scan3A_6 = arith.constant 2 : i32
    %jit3A = arith.constant 2 : i32
    %div3A = arith.divsi %add3A, %jit3A : i32
    %sign3A = arith.constant 0 : i32
    %sign3A_7 = arith.cmpi sgt, %add3A, %sign3A : i32
    %sign3A_8 = arith.extui %sign3A_7 : i1 to i32
    %sign3A_9 = arith.constant 0 : i32
    %sign3A_10 = arith.cmpi slt, %add3A, %sign3A_9 : i32
    %sign3A_11 = arith.extui %sign3A_10 : i1 to i32
    %sign3A_12 = arith.subi %sign3A_8, %sign3A_11 : i32
    %sign3A_13 = arith.constant 0 : i32
    %sign3A_14 = arith.cmpi sgt, %jit3A, %sign3A_13 : i32
    %sign3A_15 = arith.extui %sign3A_14 : i1 to i32
    %sign3A_16 = arith.constant 0 : i32
    %sign3A_17 = arith.cmpi slt, %jit3A, %sign3A_16 : i32
    %sign3A_18 = arith.extui %sign3A_17 : i1 to i32
    %sign3A_19 = arith.subi %sign3A_15, %sign3A_18 : i32
    %ne3A = arith.cmpi ne, %sign3A_12, %sign3A_19 : i32
    %rem3A = arith.remsi %add3A, %jit3A : i32
    %ne3A_20 = arith.constant 0 : i32
    %ne3A_21 = arith.cmpi ne, %rem3A, %ne3A_20 : i32
    %and3A = arith.andi %ne3A, %ne3A_21 : i1
    %sub3A = arith.constant 1 : i32
    %sub3A_22 = arith.subi %div3A, %sub3A : i32
    %select_n3A = arith.select %and3A, %sub3A_22, %div3A : i32
    %jit3A_23 = arith.constant 2 : i32
    %eq3A = arith.constant 0 : i32
    %eq3A_24 = arith.cmpi eq, %jit3A_23, %eq3A : i32
    %jit3A_25 = arith.constant 1 : i32
    %select_n3A_26 = arith.select %eq3A_24, %jit3A_25, %jit3A_23 : i32
    %rem3A_27 = arith.remsi %add3A, %select_n3A_26 : i32
    %ne3A_28 = arith.constant 0 : i32
    %ne3A_29 = arith.cmpi ne, %rem3A_27, %ne3A_28 : i32
    %lt3A = arith.constant 0 : i32
    %lt3A_30 = arith.cmpi slt, %rem3A_27, %lt3A : i32
    %lt3A_31 = arith.constant 0 : i32
    %lt3A_32 = arith.cmpi slt, %select_n3A_26, %lt3A_31 : i32
    %ne3A_33 = arith.xori %lt3A_30, %lt3A_32 : i1
    %and3A_34 = arith.andi %ne3A_33, %ne3A_29 : i1
    %add3A_35 = arith.addi %rem3A_27, %select_n3A_26 : i32
    %select_n3A_36 = arith.select %and3A_34, %add3A_35, %rem3A_27 : i32
    %mul3A_37 = arith.constant 64 : i32
    %mul3A_38 = arith.muli %select_n3A_36, %mul3A_37 : i32
    "tpu.region"() ({
      %run_scoped3A = tpu.sem_alloc : memref<!tpu.dma_semaphore, #tpu.memory_space<semaphore_mem>>
      %dma_start3A = tpu.memref_slice %arg4[%select_n3A, %mul3A_38] : memref<16x128xf32, #tpu.memory_space<hbm>> -> memref<1x64xf32, #tpu.memory_space<hbm>>
      %dma_start3A_39 = tpu.memref_squeeze %dma_start3A : memref<1x64xf32, #tpu.memory_space<hbm>> -> memref<64xf32, #tpu.memory_space<hbm>>
      %dma_start3A_40 = tpu.memref_slice %arg4[%select_n3A, %mul3A_38] : memref<16x128xf32, #tpu.memory_space<hbm>> -> memref<1x64xf32, #tpu.memory_space<hbm>>
      %dma_start3A_41 = tpu.memref_squeeze %dma_start3A_40 : memref<1x64xf32, #tpu.memory_space<hbm>> -> memref<64xf32, #tpu.memory_space<hbm>>
      tpu.enqueue_dma source(%arg10 : memref<64xf32, #tpu.memory_space<vmem>>) target(%dma_start3A_41 : memref<64xf32, #tpu.memory_space<hbm>>) target_semaphore(%run_scoped3A : memref<!tpu.dma_semaphore, #tpu.memory_space<semaphore_mem>>)
      %dma_wait3A = tpu.memref_slice %arg4[%select_n3A, %mul3A_38] : memref<16x128xf32, #tpu.memory_space<hbm>> -> memref<1x64xf32, #tpu.memory_space<hbm>>
      %dma_wait3A_42 = tpu.memref_squeeze %dma_wait3A : memref<1x64xf32, #tpu.memory_space<hbm>> -> memref<64xf32, #tpu.memory_space<hbm>>
      %dma_wait3A_43 = tpu.memref_slice %arg4[%select_n3A, %mul3A_38] : memref<16x128xf32, #tpu.memory_space<hbm>> -> memref<1x64xf32, #tpu.memory_space<hbm>>
      %dma_wait3A_44 = tpu.memref_squeeze %dma_wait3A_43 : memref<1x64xf32, #tpu.memory_space<hbm>> -> memref<64xf32, #tpu.memory_space<hbm>>
      tpu.wait_dma2 semaphore(%run_scoped3A : memref<!tpu.dma_semaphore, #tpu.memory_space<semaphore_mem>>) src(%arg10 : memref<64xf32, #tpu.memory_space<vmem>>) dst(%dma_wait3A_44 : memref<64xf32, #tpu.memory_space<hbm>>)
      tpu.yield
    }) : () -> ()
    return
  }
}

module attributes {stable_mosaic.version = 14 : i64} {
  func.func @_score_kernel(%arg0: i32, %arg1: memref<64x64xf32, #tpu.memory_space<vmem>>, %arg2: memref<8192x64xf32, #tpu.memory_space<vmem>>, %arg3: memref<64x32x256xf32, #tpu.memory_space<vmem>>, %arg4: memref<64x1x1x32xf32, #tpu.memory_space<vmem>>) attributes {dimension_semantics = [#tpu.dimension_semantics<arbitrary>], iteration_bounds = array<i64: 128>, scalar_prefetch = 0 : i64, scratch_operands = 0 : i64, tpu.core_type = #tpu.core_type<tc>, window_params = [{pipeline_mode = #tpu.pipeline_mode<synchronous>, transform_indices = @transform_0, window_bounds = array<i64: 64, 64>}, {transform_indices = @transform_1, window_bounds = array<i64: 8192, 64>}, {transform_indices = @transform_2, window_bounds = array<i64: 64, 32, 256>}, {transform_indices = @transform_3, window_bounds = array<i64: 64, 1, 1, 32>}]} {
    %get3A = arith.constant 0 : index
    %get3A_0 = arith.constant 0 : index
    %get3A_1 = vector.load %arg1[%get3A, %get3A_0] : memref<64x64xf32, #tpu.memory_space<vmem>>, vector<64x64xf32>
    %mul3A = arith.mulf %get3A_1, %get3A_1 : vector<64x64xf32>
    %reduce_sum3A = arith.constant dense<0.000000e+00> : vector<64xf32>
    %reduce_sum3A_2 = vector.multi_reduction <add>, %mul3A, %reduce_sum3A [1] : vector<64x64xf32> to vector<64xf32>
    %broadcast_in_dim3A = vector.shape_cast %reduce_sum3A_2 : vector<64xf32> to vector<64x1xf32>
    %sqrt3A = math.sqrt %broadcast_in_dim3A : vector<64x1xf32>
    %add3A = arith.constant 1.000000e-10 : f32
    %add3A_3 = vector.broadcast %add3A : f32 to vector<64x1xf32>
    %add3A_4 = arith.addf %sqrt3A, %add3A_3 : vector<64x1xf32>
    %div3A = vector.broadcast %add3A_4 : vector<64x1xf32> to vector<64x64xf32>
    %div3A_5 = arith.divf %get3A_1, %div3A : vector<64x64xf32>
    %get3A_6 = arith.constant 0 : index
    %get3A_7 = arith.constant 0 : index
    %get3A_8 = vector.load %arg2[%get3A_6, %get3A_7] : memref<8192x64xf32, #tpu.memory_space<vmem>>, vector<8192x64xf32>
    %mul3A_9 = arith.mulf %get3A_8, %get3A_8 : vector<8192x64xf32>
    %reduce_sum3A_10 = arith.constant dense<0.000000e+00> : vector<8192xf32>
    %reduce_sum3A_11 = vector.multi_reduction <add>, %mul3A_9, %reduce_sum3A_10 [1] : vector<8192x64xf32> to vector<8192xf32>
    %sqrt3A_12 = math.sqrt %reduce_sum3A_11 : vector<8192xf32>
    %add3A_13 = arith.constant 1.000000e-10 : f32
    %add3A_14 = vector.broadcast %add3A_13 : f32 to vector<8192xf32>
    %add3A_15 = arith.addf %sqrt3A_12, %add3A_14 : vector<8192xf32>
    %div3A_16 = arith.constant 1.000000e+00 : f32
    %div3A_17 = vector.broadcast %div3A_16 : f32 to vector<8192xf32>
    %div3A_18 = arith.divf %div3A_17, %add3A_15 : vector<8192xf32>
    %dot_general3A = arith.constant dense<0.000000e+00> : vector<64x8192xf32>
    %dot_general3A_19 = tpu.matmul %div3A_5, %get3A_8, %dot_general3A {dimension_numbers = #tpu.dot_dimension_numbers<[1], [1], [0], [0], [0, 0, 1, 0], [], []>, transpose_lhs_hint = false} : vector<64x64xf32>, vector<8192x64xf32>, vector<64x8192xf32> -> vector<64x8192xf32>
    %broadcast_in_dim3A_20 = vector.shape_cast %div3A_18 : vector<8192xf32> to vector<1x8192xf32>
    %mul3A_21 = vector.broadcast %broadcast_in_dim3A_20 : vector<1x8192xf32> to vector<64x8192xf32>
    %mul3A_22 = arith.mulf %dot_general3A_19, %mul3A_21 : vector<64x8192xf32>
    %mul3A_23 = arith.constant 8192 : i32
    %mul3A_24 = arith.muli %arg0, %mul3A_23 : i32
    %iota3A = tpu.iota {dimensions = array<i32: 1>} : vector<1x8192xi32>
    %add3A_25 = vector.broadcast %mul3A_24 : i32 to vector<1x8192xi32>
    %add3A_26 = arith.addi %add3A_25, %iota3A : vector<1x8192xi32>
    %lt3A = arith.constant 1000000 : i32
    %lt3A_27 = vector.broadcast %lt3A : i32 to vector<1x8192xi32>
    %lt3A_28 = arith.cmpi slt, %add3A_26, %lt3A_27 : vector<1x8192xi32>
    %jit3A = arith.constant 0xFF800000 : f32
    %broadcast_in_dim3A_29 = vector.shape_cast %lt3A_28 : vector<1x8192xi1> to vector<1x8192xi1>
    %broadcast_in_dim3A_30 = vector.broadcast %broadcast_in_dim3A_29 : vector<1x8192xi1> to vector<64x8192xi1>
    %broadcast_in_dim3A_31 = vector.broadcast %jit3A : f32 to vector<64x8192xf32>
    %select_n3A = arith.select %broadcast_in_dim3A_30, %mul3A_22, %broadcast_in_dim3A_31 : vector<64x8192xi1>, vector<64x8192xf32>
    %reshape3A = vector.shape_cast %select_n3A : vector<64x8192xf32> to vector<64x32x256xf32>
    %swap3A = arith.constant 0 : index
    %swap3A_32 = arith.constant 0 : index
    %swap3A_33 = arith.constant 0 : index
    %swap3A_34 = vector.load %arg3[%swap3A, %swap3A_32, %swap3A_33] : memref<64x32x256xf32, #tpu.memory_space<vmem>>, vector<64x32x256xf32>
    tpu.vector_store %arg3[%swap3A, %swap3A_32, %swap3A_33], %reshape3A {strides = array<i32>} : memref<64x32x256xf32, #tpu.memory_space<vmem>>, vector<64x32x256xf32>,
    %reduce_max3A = arith.constant dense<0xFF800000> : vector<64x32xf32>
    %reduce_max3A_35 = vector.multi_reduction <maximumf>, %reshape3A, %reduce_max3A [2] : vector<64x32x256xf32> to vector<64x32xf32>
    %reshape3A_36 = vector.shape_cast %reduce_max3A_35 : vector<64x32xf32> to vector<64x1x1x32xf32>
    %swap3A_37 = arith.constant 0 : index
    %swap3A_38 = arith.constant 0 : index
    %swap3A_39 = arith.constant 0 : index
    %swap3A_40 = arith.constant 0 : index
    %swap3A_41 = vector.load %arg4[%swap3A_37, %swap3A_38, %swap3A_39, %swap3A_40] : memref<64x1x1x32xf32, #tpu.memory_space<vmem>>, vector<64x1x1x32xf32>
    tpu.vector_store %arg4[%swap3A_37, %swap3A_38, %swap3A_39, %swap3A_40], %reshape3A_36 {strides = array<i32>} : memref<64x1x1x32xf32, #tpu.memory_space<vmem>>, vector<64x1x1x32xf32>,
    return
  }
  func.func @transform_0(%arg0: i32) -> (i32, i32) {
    %c0_i32 = arith.constant 0 : i32
    %c0_i32_0 = arith.constant 0 : i32
    %c0_i32_1 = arith.constant 0 : i32
    return %c0_i32, %c0_i32_0 : i32, i32
  }
  func.func @transform_1(%arg0: i32) -> (i32, i32) {
    %min3A = arith.constant 122 : i32
    %min3A_0 = arith.minsi %arg0, %min3A : i32
    %c0_i32 = arith.constant 0 : i32
    %c0_i32_1 = arith.constant 0 : i32
    return %min3A_0, %c0_i32 : i32, i32
  }
  func.func @transform_2(%arg0: i32) -> (i32, i32, i32) {
    %c0_i32 = arith.constant 0 : i32
    %c0_i32_0 = arith.constant 0 : i32
    %c0_i32_1 = arith.constant 0 : i32
    return %c0_i32, %arg0, %c0_i32_0 : i32, i32, i32
  }
  func.func @transform_3(%arg0: i32) -> (i32, i32, i32, i32) {
    %c0_i32 = arith.constant 0 : i32
    %c0_i32_0 = arith.constant 0 : i32
    %c0_i32_1 = arith.constant 0 : i32
    %c0_i32_2 = arith.constant 0 : i32
    return %c0_i32, %arg0, %c0_i32_0, %c0_i32_1 : i32, i32, i32, i32
  }
}

</mosaic_0001>

<sc_bundles>
// kernel: kernel.4.cloned.1.call-start
scs
__scs_entry_jumppad:
0x0: {  	(pc) =	sbr.rel $0x88, $3  }
0x1: {  	(tag) =	ssettag $0x0;
	lr =	simm.s32 $0x1  }
0x2: {  	[smem:$0x3F9F] =	sst lr;
	_ =	strace $0xD0000000  }
0x3: {  	_ = 	snop  }
0x4: {  	_ = 	snop  }
0x5: {  	_ = 	snop  }
0x6: {  	_ = 	snop  }
0x7: {  	_ = 	snop  }
__scs_overlays_trampoline_lowered:
0x8: {  	[smem:$0x3FAE] =	sst s0  }
0x9: {  	[smem:$0x3FAF] =	sst s1  }
0xa: {  	[smem:$0x3FB0] =	sst s2  }
0xb: {  	[smem:$0x3FB1] =	sst s3  }
0xc: {  	[smem:$0x3FB2] =	sst s4  }
0xd: {  	[smem:$0x3FB3] =	sst s5  }
0xe: {  	[smem:$0x3FB4] =	sst s6  }
0xf: {  	[smem:$0x3FB5] =	sst s7  }
0x10: {  	[smem:$0x3FB6] =	sst s8  }
0x11: {  	[smem:$0x3FB7] =	sst s9;
	s0 =	simm.s32 @!p0 $0x0  }
0x12: {  	s1 =	sld [smem:$0x3F9D];
	s0 =	simm.s32 @p0 $0x1  }
0x13: {  	[smem:$0x3FB8] =	sst s0;
	s0 =	simm.s32 @!p1 $0x0  }
0x14: {  	s2 =	sld [smem:$0x3F9C];
	s0 =	simm.s32 @p1 $0x1  }
0x15: {  	[smem:$0x3FB9] =	sst s0;
	s0 =	simm.s32 @!p2 $0x0  }
0x16: {  	s3 =	sld [smem:$0x3FDB];
	s0 =	simm.s32 @p2 $0x1  }
0x17: {  	s4 =	simm.s32 $0x1BF5;
	[smem:$0x3FBB] =	sst s0  }
0x18: {  	s0 =	sld [smem:$0x3F9E];
	_ =	swait.ge [sflag:s4], $0x0  }
0x19: {  	s7 =	sld [smem:$0x3F9F]  }
0x1a: {  	s8 =	sadd.s32 $0xFFFFE003, lr  }
0x1b: {  	s9 =	sadd.s32 $0xFFFFFEF7, lr;
	s5 =	simm.s32 $0xFFFFFFFF;
	p2 =	slt.u32 s8, $0xFFFFF086  }
0x1c: {  	p1 =	slt.u32 s9, $0xF7A;
	s5 =	simm.s32 @!p2 $0x0  }
0x1d: {  	s5 =	simm.s32 @p1 $0x1;
	p0 =	seq.s32 s7, s2  }
0x1e: {  	s7 =	smul.u32 @!p0 $0xF7A, s2;
	p2 =	seq.s32 @!p0 s5, $0x0  }
0x1f: {  	s9 =	smul.u32 $0xF7A, s1;
	s8 =	simm.s32 @!p0 $0x1BF5;
	p2 =	por !p2, p0  }
0x20: {  	[sflag:s8] =	ssyncset.s32 @!p0 $0xFFFFF086;
	s6 =	sadd.s32 @!p0 s3, s7;
	s7 =	simm.s32 @!p0 $0x108  }
0x21: {  	s3 =	sadd.s32 s3, s9;
	s6 =	sadd.s32 @!p0 $0x88, s6;
	s7 =	simm.s32 @p2 $0x1082  }
0x22: {  	[simem:s7], [sflag:s8] =	dma.local @!p0 [hbm:s6], $0xF7A  }
0x23: {  	s9 =	sor.u32 $0xD0000000, s2;
	s6 =	simm.s32 $0x108;
	_ =	swait.ge @!p0 [sflag:s8], $0x0  }
0x24: {  	s3 =	sadd.s32 $0x88, s3;
	s6 =	simm.s32 @!p1 $0x1082;
	[sflag:s4] =	ssyncset.s32 $0xFFFFF086  }
0x25: {  	[simem:s6], [sflag:s4] =	dma.local [hbm:s3], $0xF7A  }
0x26: {  	[smem:$0x3F9F] =	sst s1;
	(tag) =	ssettag s2;
	_ =	strace s9  }
0x27: {  	s1 =	sld [smem:$0x3FAF]  }
0x28: {  	s2 =	sld [smem:$0x3FB0]  }
0x29: {  	s4 =	sld [smem:$0x3FB2]  }
0x2a: {  	p0 =	seq.s32 s5, $0x0;
	s5 =	sld [smem:$0x3FB3]  }
0x2b: {  	s6 =	sld [smem:$0x3FB4]  }
0x2c: {  	s7 =	sld [smem:$0x3FB5]  }
0x2d: {  	s3 =	simm.s32 $0x108;
	s8 =	sld [smem:$0x3FB6]  }
0x2e: {  	s3 =	simm.s32 @!p0 $0x1082;
	s9 =	sld [smem:$0x3FB7]  }
0x2f: {  	lr =	sadd.s32 s0, s3;
	s0 =	sld [smem:$0x3FAE]  }
0x30: {  	s3 =	sld [smem:$0x3FB1]  }
0x31: {  	[smem:$0x3FBA] =	sst s10  }
0x32: {  	s10 =	sld [smem:$0x3FB8];
	_ =	sdelay $0x3  }
0x33: {  	p0 =	seq.s32 s10, $0x1;
	s10 =	sld [smem:$0x3FBA];
	_ =	sdelay $0x3  }
0x34: {  	[smem:$0x3FBA] =	sst s10  }
0x35: {  	s10 =	sld [smem:$0x3FB9];
	_ =	sdelay $0x3  }
0x36: {  	p1 =	seq.s32 s10, $0x1;
	s10 =	sld [smem:$0x3FBA];
	_ =	sdelay $0x3  }
0x37: {  	[smem:$0x3FBA] =	sst s10  }
0x38: {  	s10 =	sld [smem:$0x3FBB]  }
0x39: {  	_ = 	snop;
	(pc) =	sbr.ind lr, $3  }
0x3a: {  	_ = 	snop  }
0x3b: {  	_ = 	snop  }
0x3c: {  	p2 =	seq.s32 s10, $0x1;
	s10 =	sld [smem:$0x3FBA]  }
0x3d: {  	_ =	shalt  }
0x3e: {  	_ =	shalt  }
0x3f: {  	_ =	shalt  }
0x40: {  	_ =	shalt  }
0x41: {  	_ =	shalt  }
0x42: {  	_ =	shalt  }
0x43: {  	_ =	shalt  }
0x44: {  	_ =	shalt  }
0x45: {  	_ =	shalt  }
0x46: {  	_ =	shalt  }
0x47: {  	_ =	shalt  }
0x48: {  	_ =	shalt  }
0x49: {  	_ =	shalt  }
0x4a: {  	_ =	shalt  }
0x4b: {  	_ =	shalt  }
0x4c: {  	_ =	shalt  }
0x4d: {  	_ =	shalt  }
0x4e: {  	_ =	shalt  }
0x4f: {  	_ =	shalt  }
0x50: {  	_ =	shalt  }
0x51: {  	_ =	shalt  }
0x52: {  	_ =	shalt  }
0x53: {  	_ =	shalt  }
0x54: {  	_ =	shalt  }
0x55: {  	_ =	shalt  }
0x56: {  	_ =	shalt  }
0x57: {  	_ =	shalt  }
0x58: {  	_ =	shalt  }
0x59: {  	_ =	shalt  }
0x5a: {  	_ =	shalt  }
0x5b: {  	_ =	shalt  }
0x5c: {  	_ =	shalt  }
0x5d: {  	_ =	shalt  }
0x5e: {  	_ =	shalt  }
0x5f: {  	_ =	shalt  }
0x60: {  	_ =	shalt  }
0x61: {  	_ =	shalt  }
0x62: {  	_ =	shalt  }
0x63: {  	_ =	shalt  }
0x64: {  	_ =	shalt  }
0x65: {  	_ =	shalt  }
0x66: {  	_ =	shalt  }
0x67: {  	_ =	shalt  }
0x68: {  	_ =	shalt  }
0x69: {  	_ =	shalt  }
0x6a: {  	_ =	shalt  }
0x6b: {  	_ =	shalt  }
0x6c: {  	_ =	shalt  }
0x6d: {  	_ =	shalt  }
0x6e: {  	_ =	shalt  }
0x6f: {  	_ =	shalt  }
0x70: {  	_ =	shalt  }
0x71: {  	_ =	shalt  }
0x72: {  	_ =	shalt  }
0x73: {  	_ =	shalt  }
0x74: {  	_ =	shalt  }
0x75: {  	_ =	shalt  }
0x76: {  	_ =	shalt  }
0x77: {  	_ =	shalt  }
0x78: {  	_ =	shalt  }
0x79: {  	_ =	shalt  }
0x7a: {  	_ =	shalt  }
0x7b: {  	_ =	shalt  }
0x7c: {  	_ =	shalt  }
0x7d: {  	_ =	shalt  }
0x7e: {  	_ =	shalt  }
0x7f: {  	_ =	shalt  }
0x80: {  	_ =	shalt  }
0x81: {  	_ =	shalt  }
0x82: {  	_ =	shalt  }
0x83: {  	_ =	shalt  }
0x84: {  	_ =	shalt  }
0x85: {  	_ =	shalt  }
0x86: {  	_ =	shalt  }
0x87: {  	_ =	shalt  }
.Lfunc_end0:
.L_simem_size_0:
called_computation_lowered:
.L_overlay_start_0:
0x88: {  	s2 =	sld [smem:$0x3FD9]  }
0x89: {  	s3 =	sld [smem:$0x3FFE];
	_ =	sdelay $0x1  }
0x8a: {  	s1 =	srdreg.scid  }
0x8b: {  	s0 =	sand.u32 $0x1, s1  }
0x8c: {  	s17 =	sshll.u32 s0, $0xA;
	s2 =	sadd.s32 s3, s2  }
0x8d: {  	s2 =	sadd.s32 s2, s17  }
0x8e: {  	[smem:$0x3FC6] =	sst s2  }
0x8f: {  	_ = 	snop  }
0x90: {  	s2 =	sld [smem:$0x3FD0];
	(tm) =	ssettm $0x1  }
0x91: {  	s18 =	sld [smem:$0x3FFB];
	_ =	sdelay $0x3  }
0x92: {  	_ =	strace s18  }
0x93: {  	s3 =	sld [smem:$0x3FFC];
	_ =	sdelay $0x3  }
0x94: {  	_ =	strace s3  }
0x95: {  	s3 =	sld [smem:$0x3FFD];
	_ =	sdelay $0x3  }
0x96: {  	_ =	strace s3  }
0x97: {  	_ =	strace $0x8FFFFFFF  }
0x98: {  	s19 =	sld [smem:$0x3FDB];
	_ =	sdelay $0x1  }
0x99: {  	s4 =	simm.s32 $_scs_section_size  }
0x9a: {  	s5 =	simm.s32 $_size__tile_overlayer_lowered;
	s6 =	simm.s32 $_tile_overlayer_lowered  }
0x9b: {  	s22 =	simm.s32 $0x1BFF;
	s21 =	sshll.u32 s6, $0x1;
	s3 =	sadd.s32 s4, s19  }
0x9c: {  	s7 =	simm.s32 $0x0;
	s20 =	sshll.u32 s5, $0x1;
	s5 =	sadd.s32 s21, s3  }
0x9d: {  	[timem:s7], [sflag:s22] =	dma.local [hbm:s5], s20  }
0x9e: {  	_ =	swait.ge [sflag:s22], s20  }
0x9f: {  	s4 =	ssub.s32 $0x0, s20;
	[sflag:s22] =	ssyncset.done $0x0  }
0xa0: {  	[sflag:s22] =	ssyncadd.s32 s4;
	_ =	sdelay $0x1  }
0xa1: {  	s23 =	simm.s32 $0x1B8B  }
0xa2: {  	_ =	swait.ge [sflag:s23], $0x1  }
0xa3: {  	[sflag:s23] =	ssyncset.done $0x0  }
0xa4: {  	s25 =	simm.s32 $0x1B8E;
	s24 =	sld [smem:$0x3FFE];
	[sflag:s23] =	ssyncadd.s32 $0xFFFFFFFF  }
0xa5: {  	s26 =	simm.s32 $execute0_lowered;
	[smem:$0x3FD2] =	sst s25  }
0xa6: {  	s5 =	sshll.u32 s26, $0x1;
	_ =	strace $0x80000046;
	[dreg:$0x1] =	wrdreg $0xFFFFFFFF  }
0xa7: {  	s28 =	simm.s32 $_size_execute0_lowered;
	s3 =	sadd.s32 s3, s5;
	[dreg:$0x0] =	wrdreg $0x0  }
0xa8: {  	s5 =	sshll.u32 s28, $0x1;
	[dreg:$0x2] =	wrdreg s3  }
0xa9: {  	[dreg:$0x3] =	wrdreg s5  }
0xaa: {  	[dreg:$0x4] =	wrdreg $0xC0  }
0xab: {  	_ =	task [dreg:s7], $0x5FFFF  }
0xac: {  	[dreg:$0x1] =	wrdreg $0xFFFFFFFF  }
0xad: {  	[dreg:$0x0] =	wrdreg $0x60  }
0xae: {  	[dreg:$0x2] =	wrdreg s24  }
0xaf: {  	[dreg:$0x3] =	wrdreg s2  }
0xb0: {  	[dreg:$0x4] =	wrdreg $0x9  }
0xb1: {  	_ =	task.clear_ibuf [dreg:s7], $0x5FFFF;
	_ =	strace $0x90000046  }
0xb2: {  	s29 =	simm.s32 $0x9;
	_ =	strace $0x80000048  }
0xb3: {  	_ =	swait.ge [sflag:s29], $0x1  }
0xb4: {  	[sflag:s29] =	ssyncadd.s32 $0xFFFFFFFF  }
0xb5: {  	_ =	strace $0x90000048  }
0xb6: {  	_ =	sfence  }
0xb7: {  	s30 =	sld [smem:$0x0];
	_ =	sdelay $0x2  }
0xb8: {  	s31 =	sshll.u32 s1, $0xD;
	s1 =	sshrl.u32 s1, $0x2  }
0xb9: {  	s3 =	sand.u32 $0x4000, s31;
	s1 =	sadd.s32 s1, s30  }
0xba: {  	s0 =	sor.u32 s3, s0;
	s1 =	sshll.u32 s1, $0x11  }
0xbb: {  	s0 =	sor.u32 s1, s0  }
0xbc: {  	s0 =	sadd.s32 $0x8F2B, s0  }
0xbd: {  	[sflag:s0] =	ssyncadd.remote.s32 $0x1  }
0xbe: {  	_ =	sfence.sel $0xFFFF  }
0xbf: {  	[dreg:$0x0] =	wrdreg $0xFFFFFFFF;
	(pc) =	sbr.abs _section_cstart, $3  }
0xc0: {  	[dreg:$0x1] =	wrdreg $0xFFFFFFFF  }
0xc1: {  	_ =	task.clear_ibuf [dreg:s7], $0x2FFFF;
	_ =	strace $0x9FFFFFFF  }
0xc2: {  	(tm) =	ssettm $0x7FFFFFFF  }
0xc3: {  	_ =	shalt  }
tec
execute0_lowered:
.L_overlay_start_1:
0x0: {  	(tag) =	ssettag $0x1  }
0x1: {  	s1 =	srdreg.scid  }
0x2: {  	s0 =	stileid.u32;
	s4 =	rddreg [dreg:$0x0]  }
0x3: {  	s7 =	rddreg [dreg:$0x1];
	s2 =	simm.s32 $0x0;
	s6 =	simm.s32 $0x1  }
0x4: {  	s11 =	simm.s32 $0x40;
	s3 =	sand.u32 $0x1, s1;
	s31 =	sshll.u32 s0, $0x1  }
0x5: {  	s12 =	simm.s32 $0x3300;
	s13 =	simm.s32 $0x1100;
	s5 =	sor.u32 s3, s31  }
0x6: {  	s14 =	simm.s32 $0x3100;
	p1 =	seq.s32 s3, $0x1;
	p0 =	seq.s32 s5, $0x0  }
0x7: {  	s15 =	simm.s32 $0x3380;
	s1 =	rddreg [dreg:$0x2];
	p0 =	por !p0, !p1  }
0x8: {  	s16 =	simm.s32 $0x0;
	[smem:$0x7FF] =	sst s2;
	p0 =	por !p0, !p0  }
0x9: {  	_ =	strace $0x80000047;
	s8 =	ssub.s32 $0x2, s3;
	s6 =	simm.s32 @!p0 $0x0  }
0xa: {  	s9 =	sshll.u32 s3, $0x6;
	s3 =	sadd.s32 $0x20600, s4;
	s6 =	ssub.s32 s0, s6  }
0xb: {  	s4 =	sadd.s32 $0x600, s4;
	s10 =	sshrl.u32 s8, $0x1;
	s6 =	sshll.u32 s6, $0x7  }
0xc: {  	v0 =	vlaneseq.u32;
	v4 =	vimm.f32 $-Inf;
	s5 =	sshll.u32 s5, $0x1;
	s8 =	ssub.s32 s8, s10;
	s6 =	sor.u32 s9, s6  }
0xd: {  	v5 =	vshrl.u32 v0, $0x3;
	v2 =	vand.u32 $0x7, v0;
	v3 =	vor.u32 $0x80000000, v0;
	s10 =	simm.s32 $0x1000;
	s8 =	smax.u32 s8, $0x1;
	s9 =	sshrl.u32 s6, $0x3  }
0xe: {  	v1 =	vmul.u32 $0x80, v5;
	v2 =	vmul.u32 $0x10, v2;
	v5 =	vmul.u32 $0x1000, v5;
	s6 =	simm.s32 $0x1;
	s7 =	sadd.s32 s7, s9;
	s9 =	simm.s32 $0x2  }
.LBB2_1:
0xf: {  	p1 =	por $0x1, $0x1;
	s17 =	simm.s32 $0x0  }
.LBB2_2:
0x10: {  	s18 =	sor.u32 s5, s17  }
0x11: {  	s19 =	sshll.u32 s18, $0x9  }
0x12: {  	s20 =	sadd.s32 s4, s19;
	s19 =	simm.s32 $0x0  }
0x13: {  	[tilespmem:s19], [sflag:$0x2] =	stream.linear.gather [hbm4b:s20+s19], $0x1000, $0x38;
	[tilespmem:$0x3400] =	vst v63  }
0x14: {  	_ =	swait.ge [sflag:s9], $0x1000  }
0x15: {  	[sflag:s9] =	ssyncset.done $0x0  }
0x16: {  	s21 =	simm.s32 $0x80;
	[sflag:s9] =	ssyncadd.s32 $0xFFFFF000  }
0x17: {  	v6 =	vld [tilespmem:s21+$0xFFFFFF90]  }
0x18: {  	p0 =	por p1, p1;
	s22 =	simm.s32 $0x40;
	s20 =	simm.s32 $0x0;
	v7 =	vld [tilespmem:s21+$0xFFFFFF80]  }
.LBB2_3:
0x19: {  	p1 =	sne.s32 s22, $0x3C0;
	v8 =	vld [tilespmem:s21+$0xFFFFFFA0]  }
0x1a: {  	v9 =	vld [tilespmem:s21+$0xFFFFFFB0]  }
0x1b: {  	v10 =	vld [tilespmem:s21+$0xFFFFFFC0]  }
0x1c: {  	v11 =	vld [tilespmem:s21+$0xFFFFFFD0]  }
0x1d: {  	v6 =	vmax.f32 v7, v6;
	v7 =	vld [tilespmem:s21+$0xFFFFFFE0]  }
0x1e: {  	v6 =	vmax.f32 v6, v8;
	v8 =	vld [tilespmem:s21+$0xFFFFFFF0]  }
0x1f: {  	v6 =	vmax.f32 v6, v9;
	v9 =	vld [tilespmem:s21+$0x0]  }
0x20: {  	v6 =	vmax.f32 v6, v10;
	v10 =	vld [tilespmem:s21+$0x10]  }
0x21: {  	v6 =	vmax.f32 v6, v11;
	v11 =	vld [tilespmem:s21+$0x20]  }
0x22: {  	v6 =	vmax.f32 v6, v7;
	v7 =	vld [tilespmem:s21+$0x30]  }
0x23: {  	v6 =	vmax.f32 v6, v8;
	v8 =	vld [tilespmem:s21+$0x40]  }
0x24: {  	v6 =	vmax.f32 v6, v9;
	v9 =	vld [tilespmem:s21+$0x50]  }
0x25: {  	v6 =	vmax.f32 v6, v10;
	v10 =	vld [tilespmem:s21+$0x60]  }
0x26: {  	v6 =	vmax.f32 v6, v11;
	v11 =	vld [tilespmem:s21+$0x70]  }
0x27: {  	v6 =	vmax.f32 v6, v7  }
0x28: {  	v6 =	vmax.f32 v6, v8  }
0x29: {  	v6 =	vmax.f32 v6, v9  }
.Ltmp0:
0x2a: {  	v6 =	vmax.f32 v6, v10;
	(pc) =	sbr.rel @p1 .LBB2_3-.Ltmp0, $4  }
0x2b: {  	s23 =	sshra.s32 s20, $0x2;
	s20 =	smov.u32 s22;
	v6 =	vmax.f32 v6, v11  }
0x2c: {  	s21 =	sadd.s32 $0x100, s21;
	[tilespmem:s23+$0x1000] =	vst v6  }
0x2d: {  	v6 =	vld [tilespmem:s21+$0xFFFFFF90]  }
0x2e: {  	s22 =	sadd.s32 $0x40, s22;
	v7 =	vld [tilespmem:s21+$0xFFFFFF80]  }
0x2f: {  	v8 =	vld [tilespmem:s21+$0xFFFFFFA0]  }
0x30: {  	v9 =	vld [tilespmem:s21+$0xFFFFFFB0]  }
0x31: {  	v10 =	vld [tilespmem:s21+$0xFFFFFFC0]  }
0x32: {  	v11 =	vld [tilespmem:s21+$0xFFFFFFD0]  }
0x33: {  	v6 =	vmax.f32 v7, v6;
	v7 =	vld [tilespmem:s21+$0xFFFFFFE0]  }
0x34: {  	v6 =	vmax.f32 v6, v8;
	v8 =	vld [tilespmem:s21+$0xFFFFFFF0]  }
0x35: {  	v58 =	vld [tilespmem:s21+$0x0];
	v6 =	vmax.f32 v6, v9  }
0x36: {  	v59 =	vld [tilespmem:s21+$0x10];
	v6 =	vmax.f32 v6, v10  }
0x37: {  	v60 =	vld [tilespmem:s21+$0x20];
	v6 =	vmax.f32 v6, v11  }
0x38: {  	v6 =	vmax.f32 v6, v7;
	v7 =	vld [tilespmem:s21+$0x30]  }
0x39: {  	v6 =	vmax.f32 v6, v8;
	v8 =	vld [tilespmem:s21+$0x40]  }
0x3a: {  	v61 =	vld [tilespmem:s21+$0x50];
	v6 =	vmax.f32 v6, v58  }
0x3b: {  	v62 =	vld [tilespmem:s21+$0x60];
	v6 =	vmax.f32 v6, v59  }
0x3c: {  	v63 =	vld [tilespmem:s21+$0x70];
	v6 =	vmax.f32 v6, v60  }
0x3d: {  	v6 =	vmax.f32 v6, v7  }
0x3e: {  	v6 =	vmax.f32 v6, v8  }
0x3f: {  	v6 =	vmax.f32 v6, v61  }
0x40: {  	v6 =	vmax.f32 v6, v62  }
0x41: {  	s20 =	sshra.s32 s20, $0x2;
	v6 =	vmax.f32 v6, v63  }
0x42: {  	v7 =	vimm.s32 $0x0;
	[tilespmem:s20+$0x1000] =	vst v6;
	v6 =	vimm.s32 $0x0  }
.LBB2_5:
0x43: {  	v8 =	vld [tilespmem:$0x1000]  }
0x44: {  	v9 =	vld [tilespmem:$0x1010]  }
0x45: {  	v10 =	vld [tilespmem:$0x1020]  }
0x46: {  	v11 =	vld [tilespmem:$0x1030]  }
0x47: {  	v12 =	vld [tilespmem:$0x1040]  }
0x48: {  	v13 =	vld [tilespmem:$0x1050]  }
0x49: {  	v8 =	vmax.f32 v8, v9;
	v9 =	vld [tilespmem:$0x1060]  }
0x4a: {  	v8 =	vmax.f32 v8, v10;
	v10 =	vld [tilespmem:$0x1070]  }
0x4b: {  	v8 =	vmax.f32 v8, v11;
	v11 =	vld [tilespmem:$0x1080]  }
0x4c: {  	v60 =	vld [tilespmem:$0x1090];
	v8 =	vmax.f32 v8, v12  }
0x4d: {  	v61 =	vld [tilespmem:$0x10A0];
	v8 =	vmax.f32 v8, v13  }
0x4e: {  	v8 =	vmax.f32 v8, v9;
	v9 =	vld [tilespmem:$0x10B0]  }
0x4f: {  	v8 =	vmax.f32 v8, v10;
	v10 =	vld [tilespmem:$0x10C0]  }
0x50: {  	v8 =	vmax.f32 v8, v11;
	v11 =	vld [tilespmem:$0x10D0]  }
0x51: {  	v62 =	vld [tilespmem:$0x10E0];
	v8 =	vmax.f32 v8, v60  }
0x52: {  	v63 =	vld [tilespmem:$0x10F0];
	v8 =	vmax.f32 v8, v61  }
0x53: {  	v8 =	vmax.f32 v8, v9  }
0x54: {  	v8 =	vmax.f32 v8, v10  }
0x55: {  	v8 =	vmax.f32 v8, v11  }
0x56: {  	v8 =	vmax.f32 v8, v62  }
0x57: {  	v8 =	vmax.f32 v8, v63  }
0x58: {  	(xrf0) =	vmax.scan.msk.f32 $0xffff, v8;
	_ =	sdelay $0x2  }
0x59: {  	s20 =	simm.s32 $0x1000  }
0x5a: {  	v11 =	vld [tilespmem:s20+$0x0];
	_ =	sdelay $0x1  }
0x5b: {  	v8, _, _ =	vpop (xrf0)  }
0x5c: {  	v8 =	vbroadcast v8, $0xF  }
0x5d: {  	s21 =	simm.s32 $0x0  }
0x5e: {  	v9 =	vimm.s32 $0x40000000;
	v10 =	vor.u32 s21, v0;
	s21 =	simm.s32 $0x1010;
	s20 =	simm.s32 $0x10;
	vm0 =	veq.f32 v11, v8  }
.LBB2_6:
0x5f: {  	v11 =	vld [tilespmem:s21+$0x0];
	p1 =	sne.s32 s20, $0xF0;
	v10 =	vnsel vm0, $0x40000000, v10;
	s22 =	smov.u32 s20;
	s20 =	sadd.s32 $0x10, s20  }
.Ltmp1:
0x60: {  	vm0 =	vlt.s32 v9, v10;
	(pc) =	sbr.rel @p1 .LBB2_6-.Ltmp1, $2  }
0x61: {  	v9 =	vsel vm0, v9, v10;
	_ =	sdelay $0x2  }
0x62: {  	s21 =	sadd.s32 $0x10, s21;
	v10 =	vor.u32 s22, v0;
	vm0 =	veq.f32 v11, v8  }
0x63: {  	v10 =	vnsel vm0, $0x40000000, v10  }
0x64: {  	vm0 =	vlt.s32 v9, v10  }
0x65: {  	v9 =	vsel vm0, v9, v10  }
0x66: {  	v9 =	vxor.u32 $0x80000000, v9  }
0x67: {  	(xrf0) =	vmin.scan.msk.u32 $0xffff, v9;
	_ =	sdelay $0x5  }
0x68: {  	v9, _, _ =	vpop (xrf0)  }
0x69: {  	(v2sf) =	vpush v9, $0xF;
	_ =	sdelay $0xe  }
0x6a: {  	s20 =	spop (v2sf)  }
0x6b: {  	s21 =	sxor.u32 $0x80000000, s20  }
0x6c: {  	s22 =	sshra.s32 s21, $0x1F  }
0x6d: {  	s22 =	sshrl.u32 s22, $0x1C  }
0x6e: {  	s22 =	sadd.s32 s22, s21  }
0x6f: {  	p2 =	sgt.s32 s20, $0xFFFFFFFF;
	p1 =	slt.s32 s21, $0x1;
	s23 =	sand.u32 $0xFFFFFFF0, s22  }
0x70: {  	p1 =	por p2, p1;
	p6 =	sne.s32 s21, s23  }
0x71: {  	p1 =	por !p1, !p6  }
0x72: {  	s23 =	simm.s32 $0x1;
	p1 =	por !p1, !p1  }
0x73: {  	s22 =	sshra.s32 s22, $0x4;
	s23 =	simm.s32 @!p1 $0x0  }
0x74: {  	s22 =	ssub.s32 s22, s23  }
0x75: {  	s23 =	sshll.u32 s22, $0x1  }
0x76: {  	v60 =	vmov s23  }
0x77: {  	v9 =	vshll.u32 v60, $0x7  }
0x78: {  	s20 =	sand.u32 $0xF, s20;
	v9 =	vor.u32 v1, v9  }
0x79: {  	v9 =	vor.u32 s20, v9  }
0x7a: {  	v9 =	vor.u32 v2, v9;
	_ =	sdelay $0x4  }
0x7b: {  	v61 =	vld.idx.msk [tilespmem:v9+s2+$0x0], $0xffff;
	_ =	sdelay $0x4  }
0x7c: {  	vm14 =	veq.f32 v61, v8  }
0x7d: {  	v8 =	vnsel vm14, $0xC0000000, v3  }
0x7e: {  	(xrf0) =	vmin.scan.msk.u32 $0xffff, v8;
	_ =	sdelay $0x5  }
0x7f: {  	v8, _, _ =	vpop (xrf0)  }
0x80: {  	(v2sf) =	vpush v8, $0xF;
	_ =	sdelay $0xe  }
0x81: {  	s24 =	spop (v2sf)  }
0x82: {  	s22 =	sshll.u32 s22, $0x8;
	s25 =	sshll.u32 s24, $0x4;
	s24 =	sshrl.u32 s24, $0x3  }
0x83: {  	s22 =	sadd.s32 s22, s25;
	s24 =	sand.u32 $0x1, s24  }
0x84: {  	s20 =	sor.u32 s20, s22;
	s29 =	sor.u32 s23, s24  }
0x85: {  	s30 =	sand.u32 $0x7F, s20;
	s22 =	sshll.u32 s29, $0x7  }
0x86: {  	s22 =	sor.u32 s30, s22  }
0x87: {  	v8 =	vmov s22;
	_ =	sdelay $0x4  }
0x88: {  	[tilespmem:v8+s2+$0x0] =	vst.idx.msk $0x1, v4  }
0x89: {  	v8 =	vld.idx.msk [tilespmem:v9+s2+$0x0], $0xffff;
	_ =	sdelay $0x4  }
0x8a: {  	(xrf0) =	vmax.scan.msk.f32 $0xffff, v8;
	_ =	sdelay $0x2  }
0x8b: {  	v62 =	vmov s19;
	s31 =	sadd.s32 $0xFFFFFFF0, s19;
	s19 =	sadd.s32 $0x1, s19  }
0x8c: {  	p1 =	sne.s32 s19, $0x20;
	v8 =	vmov s21  }
.Ltmp2:
0x8d: {  	_ = 	snop;
	(pc) =	sbr.rel @p1 .LBB2_5-.Ltmp2, $4  }
0x8e: {  	v63, _, _ =	vpop (xrf0)  }
0x8f: {  	v11 =	vmov s31;
	v10 =	vbroadcast v63, $0xF  }
0x90: {  	vm15 =	veq.s32 v62, v0;
	vm1 =	veq.s32 v11, v0  }
0x91: {  	v7 =	vsel vm15, s20, v7;
	v6 =	vsel vm1, s20, v6;
	[tilespmem:v8+s10+$0x0] =	vst.idx.msk $0x1, v10  }
0x92: {  	s18 =	sshll.u32 s18, $0xD;
	v7 =	vshll.u32 v7, $0x1  }
0x93: {  	v6 =	vshll.u32 v6, $0x1;
	v8 =	vadd.s32 s18, v7  }
0x94: {  	[tilespmem:$0x3300] =	vst v8;
	v8 =	vadd.s32 s18, v6;
	s18 =	sor.u32 $0x1, s18  }
0x95: {  	[tilespmem:$0x3310] =	vst v8;
	v7 =	vadd.s32 s18, v7  }
0x96: {  	v6 =	vadd.s32 s18, v6;
	[tilespmem:$0x3320] =	vst v7  }
0x97: {  	[tilespmem:$0x3330] =	vst v6  }
0x98: {  	[tilespmem:s13], [sflag:$0x1] =	stream.indirect.gather [hbm4b:s3+s11], $0x80, s12, s11, $0xb8;
	[tilespmem:$0x3400] =	vst v63  }
0x99: {  	_ =	swait.ge [sflag:s6], $0x2000  }
0x9a: {  	[sflag:s6] =	ssyncset.done $0x0  }
0x9b: {  	s31 =	simm.s32 $0x0;
	[sflag:s6] =	ssyncadd.s32 $0xFFFFE000  }
0x9c: {  	v6 =	vld [tilespmem:s31+$0x1110]  }
0x9d: {  	v7 =	vld [tilespmem:s31+$0x1100]  }
0x9e: {  	v8 =	vld [tilespmem:s31+$0x1120]  }
0x9f: {  	v9 =	vld [tilespmem:s31+$0x1130]  }
0xa0: {  	v10 =	vld [tilespmem:s31+$0x1140]  }
0xa1: {  	v11 =	vld [tilespmem:s31+$0x1150]  }
0xa2: {  	v6 =	vmax.f32 v7, v6;
	v7 =	vld [tilespmem:s31+$0x1160]  }
0xa3: {  	v6 =	vmax.f32 v6, v8;
	v8 =	vld [tilespmem:s31+$0x1170]  }
0xa4: {  	v58 =	vld [tilespmem:s31+$0x2100];
	v6 =	vmax.f32 v6, v9  }
0xa5: {  	v59 =	vld [tilespmem:s31+$0x2110];
	v6 =	vmax.f32 v6, v10  }
0xa6: {  	v60 =	vld [tilespmem:s31+$0x2120];
	v6 =	vmax.f32 v6, v11  }
0xa7: {  	v6 =	vmax.f32 v6, v7;
	v7 =	vld [tilespmem:s31+$0x2130]  }
0xa8: {  	v6 =	vmax.f32 v6, v8;
	v8 =	vld [tilespmem:s31+$0x2140]  }
0xa9: {  	v61 =	vld [tilespmem:s31+$0x2150];
	v6 =	vmax.f32 v6, v58  }
0xaa: {  	v62 =	vld [tilespmem:s31+$0x2160];
	v6 =	vmax.f32 v6, v59  }
0xab: {  	v63 =	vld [tilespmem:s31+$0x2170];
	v6 =	vmax.f32 v6, v60  }
0xac: {  	v6 =	vmax.f32 v6, v7  }
0xad: {  	v6 =	vmax.f32 v6, v8  }
0xae: {  	v6 =	vmax.f32 v6, v61  }
0xaf: {  	v6 =	vmax.f32 v6, v62  }
0xb0: {  	s19 =	simm.s32 $0x3100;
	v6 =	vmax.f32 v6, v63  }
0xb1: {  	s20 =	simm.s32 $0x80;
	[tilespmem:s19+$0x0] =	vst v6  }
0xb2: {  	s21 =	simm.s32 $0x400;
	s18 =	simm.s32 $0x0;
	v6 =	vld [tilespmem:s20+$0x1110]  }
.LBB2_9:
0xb3: {  	p1 =	sne.s32 s21, $0x3E00;
	v7 =	vld [tilespmem:s20+$0x1100]  }
0xb4: {  	v8 =	vld [tilespmem:s20+$0x1120]  }
0xb5: {  	v9 =	vld [tilespmem:s20+$0x1130]  }
0xb6: {  	v10 =	vld [tilespmem:s20+$0x1140]  }
0xb7: {  	v11 =	vld [tilespmem:s20+$0x1150]  }
0xb8: {  	v6 =	vmax.f32 v7, v6;
	v7 =	vld [tilespmem:s20+$0x1160]  }
0xb9: {  	v6 =	vmax.f32 v6, v8;
	v8 =	vld [tilespmem:s20+$0x1170]  }
0xba: {  	v6 =	vmax.f32 v6, v9;
	v9 =	vld [tilespmem:s20+$0x2100]  }
0xbb: {  	v6 =	vmax.f32 v6, v10;
	v10 =	vld [tilespmem:s20+$0x2110]  }
0xbc: {  	v6 =	vmax.f32 v6, v11;
	v11 =	vld [tilespmem:s20+$0x2120]  }
0xbd: {  	v6 =	vmax.f32 v6, v7;
	v7 =	vld [tilespmem:s20+$0x2130]  }
0xbe: {  	v6 =	vmax.f32 v6, v8;
	v8 =	vld [tilespmem:s20+$0x2140]  }
0xbf: {  	v6 =	vmax.f32 v6, v9;
	v9 =	vld [tilespmem:s20+$0x2150]  }
0xc0: {  	v6 =	vmax.f32 v6, v10;
	v10 =	vld [tilespmem:s20+$0x2160]  }
0xc1: {  	v6 =	vmax.f32 v6, v11;
	v11 =	vld [tilespmem:s20+$0x2170]  }
0xc2: {  	v6 =	vmax.f32 v6, v7  }
0xc3: {  	v6 =	vmax.f32 v6, v8  }
.Ltmp3:
0xc4: {  	v6 =	vmax.f32 v6, v9;
	(pc) =	sbr.rel @p1 .LBB2_9-.Ltmp3, $4  }
0xc5: {  	v6 =	vmax.f32 v6, v10  }
0xc6: {  	s19 =	sadd.s32 $0x10, s19;
	v6 =	vmax.f32 v6, v11  }
0xc7: {  	s20 =	sshra.s32 s21, $0x2;
	[tilespmem:s19+$0x0] =	vst v6  }
0xc8: {  	s21 =	sadd.s32 $0x200, s21;
	v6 =	vld [tilespmem:s20+$0x1110]  }
0xc9: {  	v7 =	vld [tilespmem:s20+$0x1100]  }
0xca: {  	v8 =	vld [tilespmem:s20+$0x1120]  }
0xcb: {  	v9 =	vld [tilespmem:s20+$0x1130]  }
0xcc: {  	v10 =	vld [tilespmem:s20+$0x1140]  }
0xcd: {  	v11 =	vld [tilespmem:s20+$0x1150]  }
0xce: {  	v6 =	vmax.f32 v7, v6;
	v7 =	vld [tilespmem:s20+$0x1160]  }
0xcf: {  	v6 =	vmax.f32 v6, v8;
	v8 =	vld [tilespmem:s20+$0x1170]  }
0xd0: {  	v58 =	vld [tilespmem:s20+$0x2100];
	v6 =	vmax.f32 v6, v9  }
0xd1: {  	v59 =	vld [tilespmem:s20+$0x2110];
	v6 =	vmax.f32 v6, v10  }
0xd2: {  	v60 =	vld [tilespmem:s20+$0x2120];
	v6 =	vmax.f32 v6, v11  }
0xd3: {  	v6 =	vmax.f32 v6, v7;
	v7 =	vld [tilespmem:s20+$0x2130]  }
0xd4: {  	v6 =	vmax.f32 v6, v8;
	v8 =	vld [tilespmem:s20+$0x2140]  }
0xd5: {  	v61 =	vld [tilespmem:s20+$0x2150];
	v6 =	vmax.f32 v6, v58  }
0xd6: {  	v62 =	vld [tilespmem:s20+$0x2160];
	v6 =	vmax.f32 v6, v59  }
0xd7: {  	v63 =	vld [tilespmem:s20+$0x2170];
	v6 =	vmax.f32 v6, v60  }
0xd8: {  	v6 =	vmax.f32 v6, v7  }
0xd9: {  	v6 =	vmax.f32 v6, v8  }
0xda: {  	v6 =	vmax.f32 v6, v61  }
0xdb: {  	v6 =	vmax.f32 v6, v62  }
0xdc: {  	s19 =	sadd.s32 $0x10, s19;
	v6 =	vmax.f32 v6, v63  }
0xdd: {  	v7 =	vimm.f32 $-Inf;
	[tilespmem:s19+$0x0] =	vst v6;
	v6 =	vimm.f32 $-Inf  }
.LBB2_11:
0xde: {  	v8 =	vld [tilespmem:$0x3100]  }
0xdf: {  	v9 =	vld [tilespmem:$0x3110]  }
0xe0: {  	v10 =	vld [tilespmem:$0x3120]  }
0xe1: {  	v11 =	vld [tilespmem:$0x3130]  }
0xe2: {  	v12 =	vld [tilespmem:$0x3140]  }
0xe3: {  	v13 =	vld [tilespmem:$0x3150]  }
0xe4: {  	v8 =	vmax.f32 v8, v9;
	v9 =	vld [tilespmem:$0x3160]  }
0xe5: {  	v8 =	vmax.f32 v8, v10;
	v10 =	vld [tilespmem:$0x3170]  }
0xe6: {  	v8 =	vmax.f32 v8, v11;
	v11 =	vld [tilespmem:$0x3180]  }
0xe7: {  	v54 =	vld [tilespmem:$0x3190];
	v8 =	vmax.f32 v8, v12  }
0xe8: {  	v55 =	vld [tilespmem:$0x31A0];
	v8 =	vmax.f32 v8, v13  }
0xe9: {  	v8 =	vmax.f32 v8, v9;
	v9 =	vld [tilespmem:$0x31B0]  }
0xea: {  	v8 =	vmax.f32 v8, v10;
	v10 =	vld [tilespmem:$0x31C0]  }
0xeb: {  	v8 =	vmax.f32 v8, v11;
	v11 =	vld [tilespmem:$0x31D0]  }
0xec: {  	v56 =	vld [tilespmem:$0x31E0];
	v8 =	vmax.f32 v8, v54  }
0xed: {  	v57 =	vld [tilespmem:$0x31F0];
	v8 =	vmax.f32 v8, v55  }
0xee: {  	v8 =	vmax.f32 v8, v9;
	v9 =	vld [tilespmem:$0x3200]  }
0xef: {  	v8 =	vmax.f32 v8, v10;
	v10 =	vld [tilespmem:$0x3210]  }
0xf0: {  	v8 =	vmax.f32 v8, v11;
	v11 =	vld [tilespmem:$0x3220]  }
0xf1: {  	v58 =	vld [tilespmem:$0x3230];
	v8 =	vmax.f32 v8, v56  }
0xf2: {  	v59 =	vld [tilespmem:$0x3240];
	v8 =	vmax.f32 v8, v57  }
0xf3: {  	v8 =	vmax.f32 v8, v9;
	v9 =	vld [tilespmem:$0x3250]  }
0xf4: {  	v8 =	vmax.f32 v8, v10;
	v10 =	vld [tilespmem:$0x3260]  }
0xf5: {  	v8 =	vmax.f32 v8, v11;
	v11 =	vld [tilespmem:$0x3270]  }
0xf6: {  	v60 =	vld [tilespmem:$0x3280];
	v8 =	vmax.f32 v8, v58  }
0xf7: {  	v61 =	vld [tilespmem:$0x3290];
	v8 =	vmax.f32 v8, v59  }
0xf8: {  	v8 =	vmax.f32 v8, v9;
	v9 =	vld [tilespmem:$0x32A0]  }
0xf9: {  	v8 =	vmax.f32 v8, v10;
	v10 =	vld [tilespmem:$0x32B0]  }
0xfa: {  	v8 =	vmax.f32 v8, v11;
	v11 =	vld [tilespmem:$0x32C0]  }
0xfb: {  	v62 =	vld [tilespmem:$0x32D0];
	v8 =	vmax.f32 v8, v60  }
0xfc: {  	v63 =	vld [tilespmem:$0x32E0];
	v8 =	vmax.f32 v8, v61  }
0xfd: {  	v8 =	vmax.f32 v8, v9;
	v9 =	vld [tilespmem:$0x32F0]  }
0xfe: {  	v8 =	vmax.f32 v8, v10  }
0xff: {  	v8 =	vmax.f32 v8, v11  }
0x100: {  	v8 =	vmax.f32 v8, v62  }
0x101: {  	v8 =	vmax.f32 v8, v63  }
0x102: {  	v8 =	vmax.f32 v8, v9  }
0x103: {  	(xrf0) =	vmax.scan.msk.f32 $0xffff, v8;
	_ =	sdelay $0x2  }
0x104: {  	s19 =	simm.s32 $0x3100  }
0x105: {  	v11 =	vld [tilespmem:s19+$0x0];
	_ =	sdelay $0x1  }
0x106: {  	v8, _, _ =	vpop (xrf0)  }
0x107: {  	v8 =	vbroadcast v8, $0xF  }
0x108: {  	s20 =	simm.s32 $0x0  }
0x109: {  	v10 =	vor.u32 s20, v0;
	s20 =	simm.s32 $0x3110;
	s19 =	simm.s32 $0x10;
	v9 =	vimm.s32 $0x40000000;
	vm0 =	veq.f32 v11, v8  }
.LBB2_12:
0x10a: {  	v11 =	vld [tilespmem:s20+$0x0];
	p1 =	sne.s32 s19, $0x1F0;
	v10 =	vnsel vm0, $0x40000000, v10;
	s21 =	smov.u32 s19;
	s19 =	sadd.s32 $0x10, s19  }
.Ltmp4:
0x10b: {  	vm0 =	vlt.s32 v9, v10;
	(pc) =	sbr.rel @p1 .LBB2_12-.Ltmp4, $2  }
0x10c: {  	v9 =	vsel vm0, v9, v10;
	_ =	sdelay $0x2  }
0x10d: {  	s20 =	sadd.s32 $0x10, s20;
	v10 =	vor.u32 s21, v0;
	vm0 =	veq.f32 v11, v8  }
0x10e: {  	v10 =	vnsel vm0, $0x40000000, v10  }
0x10f: {  	vm0 =	vlt.s32 v9, v10  }
0x110: {  	v9 =	vsel vm0, v9, v10  }
0x111: {  	v9 =	vxor.u32 $0x80000000, v9  }
0x112: {  	(xrf0) =	vmin.scan.msk.u32 $0xffff, v9;
	_ =	sdelay $0x5  }
0x113: {  	v9, _, _ =	vpop (xrf0)  }
0x114: {  	(v2sf) =	vpush v9, $0xF;
	_ =	sdelay $0xe  }
0x115: {  	s19 =	spop (v2sf)  }
0x116: {  	s20 =	sxor.u32 $0x80000000, s19  }
0x117: {  	s21 =	sshra.s32 s20, $0x1F  }
0x118: {  	s21 =	sshrl.u32 s21, $0x1C  }
0x119: {  	s21 =	sadd.s32 s21, s20  }
0x11a: {  	p2 =	sgt.s32 s19, $0xFFFFFFFF;
	p1 =	slt.s32 s20, $0x1;
	s22 =	sand.u32 $0xFFFFFFF0, s21  }
0x11b: {  	p1 =	por p2, p1;
	p6 =	sne.s32 s20, s22  }
0x11c: {  	p1 =	por !p1, !p6  }
0x11d: {  	s22 =	simm.s32 $0x1;
	p1 =	por !p1, !p1  }
0x11e: {  	s21 =	sshra.s32 s21, $0x4;
	s22 =	simm.s32 @!p1 $0x0  }
0x11f: {  	s21 =	ssub.s32 s21, s22  }
0x120: {  	v59 =	vmov s21  }
0x121: {  	v9 =	vshll.u32 v59, $0x7  }
0x122: {  	s19 =	sand.u32 $0xF, s19;
	v9 =	vadd.s32 v5, v9  }
0x123: {  	v9 =	vor.u32 s19, v9  }
0x124: {  	v9 =	vor.u32 v2, v9;
	_ =	sdelay $0x4  }
0x125: {  	v60 =	vld.idx.msk [tilespmem:v9+s13+$0x0], $0xffff;
	_ =	sdelay $0x4  }
0x126: {  	vm14 =	veq.f32 v60, v8  }
0x127: {  	v10 =	vnsel vm14, $0xC0000000, v3  }
0x128: {  	(xrf0) =	vmin.scan.msk.u32 $0xffff, v10;
	_ =	sdelay $0x5  }
0x129: {  	v10, _, _ =	vpop (xrf0)  }
0x12a: {  	(v2sf) =	vpush v10, $0xF;
	_ =	sdelay $0xe  }
0x12b: {  	s30 =	spop (v2sf)  }
0x12c: {  	s23 =	sshll.u32 s30, $0x2  }
0x12d: {  	s22 =	sshll.u32 s30, $0x4;
	s23 =	sand.u32 $0x20, s23  }
0x12e: {  	s22 =	sand.u32 $0x70, s22;
	s21 =	sadd.s32 s21, s23  }
0x12f: {  	s19 =	sor.u32 s19, s22;
	s21 =	sshll.u32 s21, $0x7  }
0x130: {  	s19 =	sor.u32 s19, s21  }
0x131: {  	v61 =	vmov s19;
	_ =	sdelay $0x4  }
0x132: {  	[tilespmem:v61+s13+$0x0] =	vst.idx.msk $0x1, v4  }
0x133: {  	v9 =	vld.idx.msk [tilespmem:v9+s13+$0x0], $0xffff;
	_ =	sdelay $0x4  }
0x134: {  	(xrf0) =	vmax.scan.msk.f32 $0xffff, v9;
	_ =	sdelay $0x2  }
0x135: {  	v63 =	vmov s18;
	s31 =	sadd.s32 $0xFFFFFFF0, s18;
	s18 =	sadd.s32 $0x1, s18  }
0x136: {  	v62 =	vmov s20;
	p1 =	sne.s32 s18, $0x20  }
.Ltmp5:
0x137: {  	_ = 	snop;
	(pc) =	sbr.rel @p1 .LBB2_11-.Ltmp5, $4  }
0x138: {  	v11, _, _ =	vpop (xrf0)  }
0x139: {  	v12 =	vmov s31;
	v11 =	vbroadcast v11, $0xF  }
0x13a: {  	vm15 =	veq.s32 v63, v0;
	vm1 =	veq.s32 v12, v0  }
0x13b: {  	v7 =	vsel vm15, v8, v7;
	v6 =	vsel vm1, v8, v6;
	[tilespmem:v62+s14+$0x0] =	vst.idx.msk $0x1, v11  }
.Ltmp6:
0x13c: {  	(pc) =	sbr.rel @p0 .LBB2_2-.Ltmp6, $4  }
0x13d: {  	s17 =	sshll.u32 s17, $0x5  }
0x13e: {  	s17 =	sand.u32 $0x3FFFFFE0, s17  }
0x13f: {  	[tilespmem:s17+$0x3380] =	vst v7  }
0x140: {  	p1 =	por $0x0, $0x0;
	[tilespmem:s17+$0x3390] =	vst v6;
	s17 =	simm.s32 $0x1  }
0x141: {  	s16 =	sadd.s32 $0x1, s16  }
0x142: {  	p0 =	sne.s32 s16, s8  }
.Ltmp7:
0x143: {  	_ = 	snop;
	(pc) =	sbr.rel @p0 .LBB2_1-.Ltmp7, $4  }
0x144: {  	[hbm4b:s7+s2] =	stream.linear.scatter [tilespmem:s15], [sflag:$0x2], $0x40, $0x38;
	[tilespmem:$0x3400] =	vst v63  }
0x145: {  	_ =	swait.ge [sflag:s9], $0x40  }
0x146: {  	[sflag:s9] =	ssyncset.done $0x0  }
0x147: {  	[sflag:s9] =	ssyncadd.s32 $0xFFFFFFC0  }
0x148: {  	_ =	sfence.sel $0x180000  }
0x149: {  	[bflag:$0x0] =	sbarrier.arrive $0xFFFF  }
0x14a: {  	p0 =	sne.s32 s0, $0x0;
	_ =	strace $0x90000047  }
0x14b: {  	s0 =	sadd.s32 @!p0 $0x100000, s1;
	[bflag:$0x2] =	sbarrier.arrive $0xFFFF  }
0x14c: {  	[sflag:s0] =	ssyncadd.tile.s32 @!p0 $0x1;
	_ =	shalt  }
.Lfunc_end2:
_tile_overlayer_lowered:
.L_overlay_start_2:
0x14d: {  	(tag) =	ssettag $0x2  }
0x14e: {  	s0 =	rddreg [dreg:$0x0];
	s2 =	stileid.u32  }
0x14f: {  	s1 =	rddreg [dreg:$0x1];
	p0 =	sne.s32 s2, $0x0  }
0x150: {  	s3 =	rddreg [dreg:$0x2];
	[bflag:$0x3] =	sbarrier.arrive $0xFFFF;
	s2 =	simm.s32 @!p0 $0x1C02  }
0x151: {  	[timem:s3], [sflag:s2] =	dma.local @!p0 [hbm:s0], s1  }
0x152: {  	s0 =	simm.s32 @!p0 $0x2  }
0x153: {  	_ =	swait.ge @!p0 [sflag:s0], s1  }
0x154: {  	s1 =	ssub.s32 @!p0 $0x0, s1;
	[sflag:s0] =	ssyncset.done @!p0 $0x0  }
0x155: {  	[sflag:s0] =	ssyncadd.s32 @!p0 s1  }
0x156: {  	[bflag:$0x3] =	sbarrier.arrive $0xFFFF  }
0x157: {  	_ =	shalt  }

</sc_bundles>
